<compile_context>
chip_gen: v7x
topology: tpu7x:2x2x1
jax: 0.10.2.dev20260603
libtpu: 0.0.44.dev20260713+nightly
codegen_flags: <defaults>
</compile_context>

<pallas_src>
import functools

import jax
import jax.numpy as jnp
from jax import lax
from jax.experimental import pallas as pl
from jax.experimental.pallas import tpu as pltpu
from jax.experimental.pallas import tpu_sc as plsc

SEQ = 512
BATCH = 16
TOTAL = 32768
BUDGET = SEQ - 2
CLS_ID = 0
SEP_ID = 2
PAD_ID = 1
BUF = 528


def _body(tokens_hbm, cu_hbm, words_hbm, mask_hbm, type_hbm,
          cu_v, buf_v, row_v, mrow_v, zrow_v, sem_cu, sem_out):
    b = lax.axis_index("s")

    cu_a = pltpu.async_copy(cu_hbm.at[pl.ds(0, 16)],
                            cu_v.at[pl.ds(0, 16)], sem_cu)
    cu_b = pltpu.async_copy(cu_hbm.at[pl.ds(16, 1)],
                            cu_v.at[pl.ds(16, 1)], sem_cu)

    zero = jnp.zeros((16,), jnp.int32)
    for c in range(SEQ // 16):
        zrow_v[pl.ds(c * 16, 16)] = zero
    z_dma = pltpu.async_copy(zrow_v, type_hbm.at[b], sem_out)

    cu_a.wait()
    cu_b.wait()
    lane = lax.iota(jnp.int32, 16)
    cu_lo = cu_v[pl.ds(0, 16)]
    cu_top = cu_v[pl.ds(16, 16)]
    start = jnp.sum(jnp.where(lane == b, cu_lo, 0))
    end = (jnp.sum(jnp.where(lane == b + 1, cu_lo, 0))
           + jnp.sum(jnp.where((lane + 16) == b + 1, cu_top, 0)))
    seg_len = jnp.minimum(end - start, BUDGET)
    seg_sep = seg_len + 1

    start_al = pl.multiple_of(
        jnp.minimum((jnp.maximum(start - 8, 0) >> 3) << 3, TOTAL - BUF), 8)
    pltpu.sync_copy(tokens_hbm.at[pl.ds(start_al, BUF)], buf_v)
    off = start - start_al

    for c in range(SEQ // 16):
        j = lane + (c * 16)
        gidx = jnp.clip(off + (c * 16) + lane - 1, 0, BUF - 1)
        tok = plsc.load_gather(buf_v, [gidx])
        words = jnp.where(
            j <= seg_len,
            tok,
            jnp.where(j == seg_sep, SEP_ID, PAD_ID),
        )
        if c == 0:
            words = jnp.where(j == 0, CLS_ID, words)
        row_v[pl.ds(c * 16, 16)] = words
        mrow_v[pl.ds(c * 16, 16)] = jnp.where(j <= seg_sep, 1, 0)

    w_dma = pltpu.async_copy(row_v, words_hbm.at[b], sem_out)
    m_dma = pltpu.async_copy(mrow_v, mask_hbm.at[b], sem_out)
    z_dma.wait()
    w_dma.wait()
    m_dma.wait()


@jax.jit
def _pack(tokens, cu_seqlens):
    out_t = jax.ShapeDtypeStruct((BATCH, SEQ), jnp.int32)
    k = pl.kernel(
        _body,
        out_type=(out_t, out_t, out_t),
        mesh=plsc.VectorSubcoreMesh(core_axis_name="c", subcore_axis_name="s",
                                    num_cores=1),
        scratch_types=[
            pltpu.VMEM((32,), jnp.int32),
            pltpu.VMEM((BUF,), jnp.int32),
            pltpu.VMEM((SEQ,), jnp.int32),
            pltpu.VMEM((SEQ,), jnp.int32),
            pltpu.VMEM((SEQ,), jnp.int32),
            pltpu.SemaphoreType.DMA,
            pltpu.SemaphoreType.DMA,
        ],
        compiler_params=pltpu.CompilerParams(needs_layout_passes=False),
    )
    return k(tokens, cu_seqlens)


def kernel(tokens, cu_seqlens):
    return _pack(tokens, cu_seqlens)

# --- scband reference (transcript-rebuilt; emitter-appended) ---
"""Pipeline reference for scband-roberta-pack-inputs-68908455297241 (READ-ONLY COPY).

The authoritative reference and input builder live on the scoring server;
editing this copy changes nothing except your own understanding.
"""

import jax, jax.numpy as jnp
import numpy as np

SEQ_LENGTH = 512
CLS_ID = 0   # start_of_sequence_id
SEP_ID = 2   # end_of_segment_id
PAD_ID = 1   # padding_id
TOTAL_TOKENS = 32768
BATCH = 16
VOCAB = 50265


def setup_inputs(seed: int = 0) -> dict:
    key = jax.random.key(seed)
    k1, k2 = jax.random.split(key)
    tokens = jax.random.randint(k1, (TOTAL_TOKENS,), 0, VOCAB, dtype=jnp.int32)
    cu_seqlens = jnp.sort(jax.random.randint(k2, (BATCH + 1,), 0, TOTAL_TOKENS, dtype=jnp.int32))
    return {"tokens": tokens, "cu_seqlens": cu_seqlens}


def reference(tokens, cu_seqlens):
    # Single ragged segment input. With double_sep_token_between_segments=True and
    # one segment, num_special_tokens = 2 (CLS + SEP).
    # RoundRobinTrimmer with a single segment == cap each row at (seq_length - 2).
    budget = SEQ_LENGTH - 2
    row_starts = cu_seqlens[:-1]                       # [B]
    row_lens = cu_seqlens[1:] - cu_seqlens[:-1]        # [B] (nonneg, cu_seqlens sorted)
    lens = jnp.minimum(row_lens, budget)               # trimmed lengths [B]

    j = jnp.arange(SEQ_LENGTH, dtype=jnp.int32)[None, :]          # [1, S]
    gidx = row_starts[:, None] + j - 1                              # position j holds token (j-1) of row
    gidx = jnp.clip(gidx, 0, tokens.shape[0] - 1)
    gathered = jnp.take(tokens, gidx)                               # [B, S]

    lens_e = lens[:, None]
    # combine_segments: [CLS] tokens... [SEP], then pad_model_inputs -> pad with PAD_ID
    input_word_ids = jnp.where(
        j == 0,
        jnp.int32(CLS_ID),
        jnp.where(
            j <= lens_e,
            gathered,
            jnp.where(j == lens_e + 1, jnp.int32(SEP_ID), jnp.int32(PAD_ID)),
        ),
    ).astype(jnp.int32)

    # input_mask: 1 for the (len + 2) real positions (CLS + tokens + SEP), 0 for padding
    input_mask = (j <= lens_e + 1).astype(jnp.int32)

    # single segment -> all type ids zero (matches tf.zeros_like in original)
    input_type_ids = jnp.zeros((cu_seqlens.shape[0] - 1, SEQ_LENGTH), dtype=jnp.int32)

    return (input_word_ids, input_mask, input_type_ids)

if __name__ == "__main__":
    import jax
    _d = setup_inputs()
    print(jax.jit(kernel)(*tuple(_d.values())))

</pallas_src>

<mosaic_0001>
#map = affine_map<(d0, d1) -> (0)>
#map1 = affine_map<(d0, d1) -> (0, 0)>
module attributes {stable_mosaic.version = 14 : i64} {
  func.func @_body(%arg0: i32, %arg1: i32, %arg2: memref<32768xi32, #tpu.memory_space<hbm>>, %arg3: memref<17xi32, #tpu.memory_space<hbm>>, %arg4: memref<16x512xi32, #tpu.memory_space<hbm>>, %arg5: memref<16x512xi32, #tpu.memory_space<hbm>>, %arg6: memref<16x512xi32, #tpu.memory_space<hbm>>, %arg7: memref<32xi32, #tpu.memory_space<vmem>>, %arg8: memref<528xi32, #tpu.memory_space<vmem>>, %arg9: memref<512xi32, #tpu.memory_space<vmem>>, %arg10: memref<512xi32, #tpu.memory_space<vmem>>, %arg11: memref<512xi32, #tpu.memory_space<vmem>>, %arg12: memref<!tpu.dma_semaphore, #tpu.memory_space<semaphore_mem>>, %arg13: memref<!tpu.dma_semaphore, #tpu.memory_space<semaphore_mem>>) attributes {dimension_semantics = [#tpu.dimension_semantics<core_parallel>, #tpu.dimension_semantics<subcore_parallel>], iteration_bounds = array<i64: 1, 16>, scalar_prefetch = 0 : i64, scratch_operands = 7 : i64, tpu.core_type = #tpu.core_type<sc_vector_subcore>, window_params = [{transform_indices = #map}, {transform_indices = #map}, {transform_indices = #map1}, {transform_indices = #map1}, {transform_indices = #map1}]} {
    %dma_start3A = arith.constant 0 : i32
    %dma_start3A_0 = tpu.memref_slice %arg7[%dma_start3A] : memref<32xi32, #tpu.memory_space<vmem>> -> memref<16xi32, #tpu.memory_space<vmem>>
    %dma_start3A_1 = arith.constant 0 : i32
    %dma_start3A_2 = tpu.memref_slice %arg3[%dma_start3A_1] : memref<17xi32, #tpu.memory_space<hbm>> -> memref<16xi32, #tpu.memory_space<hbm>>
    %dma_start3A_3 = arith.constant 0 : i32
    %dma_start3A_4 = tpu.memref_slice %arg7[%dma_start3A_3] : memref<32xi32, #tpu.memory_space<vmem>> -> memref<16xi32, #tpu.memory_space<vmem>>
    %dma_start3A_5 = arith.constant 0 : i32
    %dma_start3A_6 = tpu.memref_slice %arg3[%dma_start3A_5] : memref<17xi32, #tpu.memory_space<hbm>> -> memref<16xi32, #tpu.memory_space<hbm>>
    tpu.enqueue_dma source(%dma_start3A_6 : memref<16xi32, #tpu.memory_space<hbm>>) target(%dma_start3A_4 : memref<16xi32, #tpu.memory_space<vmem>>) target_semaphore(%arg12 : memref<!tpu.dma_semaphore, #tpu.memory_space<semaphore_mem>>)
    %dma_start3A_7 = arith.constant 16 : i32
    %dma_start3A_8 = tpu.memref_slice %arg7[%dma_start3A_7] : memref<32xi32, #tpu.memory_space<vmem>> -> memref<1xi32, #tpu.memory_space<vmem>>
    %dma_start3A_9 = arith.constant 16 : i32
    %dma_start3A_10 = tpu.memref_slice %arg3[%dma_start3A_9] : memref<17xi32, #tpu.memory_space<hbm>> -> memref<1xi32, #tpu.memory_space<hbm>>
    %dma_start3A_11 = arith.constant 16 : i32
    %dma_start3A_12 = tpu.memref_slice %arg7[%dma_start3A_11] : memref<32xi32, #tpu.memory_space<vmem>> -> memref<1xi32, #tpu.memory_space<vmem>>
    %dma_start3A_13 = arith.constant 16 : i32
    %dma_start3A_14 = tpu.memref_slice %arg3[%dma_start3A_13] : memref<17xi32, #tpu.memory_space<hbm>> -> memref<1xi32, #tpu.memory_space<hbm>>
    tpu.enqueue_dma source(%dma_start3A_14 : memref<1xi32, #tpu.memory_space<hbm>>) target(%dma_start3A_12 : memref<1xi32, #tpu.memory_space<vmem>>) target_semaphore(%arg12 : memref<!tpu.dma_semaphore, #tpu.memory_space<semaphore_mem>>)
    %broadcast_in_dim3A = arith.constant 0 : i32
    %broadcast_in_dim3A_15 = vector.broadcast %broadcast_in_dim3A : i32 to vector<16xi32>
    %swap3A = arith.constant 0 : index
    %swap3A_16 = tpu.vector_load %arg11[%swap3A] {strides = array<i32>} : memref<512xi32, #tpu.memory_space<vmem>>, vector<16xi32>,
    tpu.vector_store %arg11[%swap3A], %broadcast_in_dim3A_15 {strides = array<i32>} : memref<512xi32, #tpu.memory_space<vmem>>, vector<16xi32>,
    %swap3A_17 = arith.constant 16 : index
    %swap3A_18 = tpu.vector_load %arg11[%swap3A_17] {strides = array<i32>} : memref<512xi32, #tpu.memory_space<vmem>>, vector<16xi32>,
    tpu.vector_store %arg11[%swap3A_17], %broadcast_in_dim3A_15 {strides = array<i32>} : memref<512xi32, #tpu.memory_space<vmem>>, vector<16xi32>,
    %swap3A_19 = arith.constant 32 : index
    %swap3A_20 = tpu.vector_load %arg11[%swap3A_19] {strides = array<i32>} : memref<512xi32, #tpu.memory_space<vmem>>, vector<16xi32>,
    tpu.vector_store %arg11[%swap3A_19], %broadcast_in_dim3A_15 {strides = array<i32>} : memref<512xi32, #tpu.memory_space<vmem>>, vector<16xi32>,
    %swap3A_21 = arith.constant 48 : index
    %swap3A_22 = tpu.vector_load %arg11[%swap3A_21] {strides = array<i32>} : memref<512xi32, #tpu.memory_space<vmem>>, vector<16xi32>,
    tpu.vector_store %arg11[%swap3A_21], %broadcast_in_dim3A_15 {strides = array<i32>} : memref<512xi32, #tpu.memory_space<vmem>>, vector<16xi32>,
    %swap3A_23 = arith.constant 64 : index
    %swap3A_24 = tpu.vector_load %arg11[%swap3A_23] {strides = array<i32>} : memref<512xi32, #tpu.memory_space<vmem>>, vector<16xi32>,
    tpu.vector_store %arg11[%swap3A_23], %broadcast_in_dim3A_15 {strides = array<i32>} : memref<512xi32, #tpu.memory_space<vmem>>, vector<16xi32>,
    %swap3A_25 = arith.constant 80 : index
    %swap3A_26 = tpu.vector_load %arg11[%swap3A_25] {strides = array<i32>} : memref<512xi32, #tpu.memory_space<vmem>>, vector<16xi32>,
    tpu.vector_store %arg11[%swap3A_25], %broadcast_in_dim3A_15 {strides = array<i32>} : memref<512xi32, #tpu.memory_space<vmem>>, vector<16xi32>,
    %swap3A_27 = arith.constant 96 : index
    %swap3A_28 = tpu.vector_load %arg11[%swap3A_27] {strides = array<i32>} : memref<512xi32, #tpu.memory_space<vmem>>, vector<16xi32>,
    tpu.vector_store %arg11[%swap3A_27], %broadcast_in_dim3A_15 {strides = array<i32>} : memref<512xi32, #tpu.memory_space<vmem>>, vector<16xi32>,
    %swap3A_29 = arith.constant 112 : index
    %swap3A_30 = tpu.vector_load %arg11[%swap3A_29] {strides = array<i32>} : memref<512xi32, #tpu.memory_space<vmem>>, vector<16xi32>,
    tpu.vector_store %arg11[%swap3A_29], %broadcast_in_dim3A_15 {strides = array<i32>} : memref<512xi32, #tpu.memory_space<vmem>>, vector<16xi32>,
    %swap3A_31 = arith.constant 128 : index
    %swap3A_32 = tpu.vector_load %arg11[%swap3A_31] {strides = array<i32>} : memref<512xi32, #tpu.memory_space<vmem>>, vector<16xi32>,
    tpu.vector_store %arg11[%swap3A_31], %broadcast_in_dim3A_15 {strides = array<i32>} : memref<512xi32, #tpu.memory_space<vmem>>, vector<16xi32>,
    %swap3A_33 = arith.constant 144 : index
    %swap3A_34 = tpu.vector_load %arg11[%swap3A_33] {strides = array<i32>} : memref<512xi32, #tpu.memory_space<vmem>>, vector<16xi32>,
    tpu.vector_store %arg11[%swap3A_33], %broadcast_in_dim3A_15 {strides = array<i32>} : memref<512xi32, #tpu.memory_space<vmem>>, vector<16xi32>,
    %swap3A_35 = arith.constant 160 : index
    %swap3A_36 = tpu.vector_load %arg11[%swap3A_35] {strides = array<i32>} : memref<512xi32, #tpu.memory_space<vmem>>, vector<16xi32>,
    tpu.vector_store %arg11[%swap3A_35], %broadcast_in_dim3A_15 {strides = array<i32>} : memref<512xi32, #tpu.memory_space<vmem>>, vector<16xi32>,
    %swap3A_37 = arith.constant 176 : index
    %swap3A_38 = tpu.vector_load %arg11[%swap3A_37] {strides = array<i32>} : memref<512xi32, #tpu.memory_space<vmem>>, vector<16xi32>,
    tpu.vector_store %arg11[%swap3A_37], %broadcast_in_dim3A_15 {strides = array<i32>} : memref<512xi32, #tpu.memory_space<vmem>>, vector<16xi32>,
    %swap3A_39 = arith.constant 192 : index
    %swap3A_40 = tpu.vector_load %arg11[%swap3A_39] {strides = array<i32>} : memref<512xi32, #tpu.memory_space<vmem>>, vector<16xi32>,
    tpu.vector_store %arg11[%swap3A_39], %broadcast_in_dim3A_15 {strides = array<i32>} : memref<512xi32, #tpu.memory_space<vmem>>, vector<16xi32>,
    %swap3A_41 = arith.constant 208 : index
    %swap3A_42 = tpu.vector_load %arg11[%swap3A_41] {strides = array<i32>} : memref<512xi32, #tpu.memory_space<vmem>>, vector<16xi32>,
    tpu.vector_store %arg11[%swap3A_41], %broadcast_in_dim3A_15 {strides = array<i32>} : memref<512xi32, #tpu.memory_space<vmem>>, vector<16xi32>,
    %swap3A_43 = arith.constant 224 : index
    %swap3A_44 = tpu.vector_load %arg11[%swap3A_43] {strides = array<i32>} : memref<512xi32, #tpu.memory_space<vmem>>, vector<16xi32>,
    tpu.vector_store %arg11[%swap3A_43], %broadcast_in_dim3A_15 {strides = array<i32>} : memref<512xi32, #tpu.memory_space<vmem>>, vector<16xi32>,
    %swap3A_45 = arith.constant 240 : index
    %swap3A_46 = tpu.vector_load %arg11[%swap3A_45] {strides = array<i32>} : memref<512xi32, #tpu.memory_space<vmem>>, vector<16xi32>,
    tpu.vector_store %arg11[%swap3A_45], %broadcast_in_dim3A_15 {strides = array<i32>} : memref<512xi32, #tpu.memory_space<vmem>>, vector<16xi32>,
    %swap3A_47 = arith.constant 256 : index
    %swap3A_48 = tpu.vector_load %arg11[%swap3A_47] {strides = array<i32>} : memref<512xi32, #tpu.memory_space<vmem>>, vector<16xi32>,
    tpu.vector_store %arg11[%swap3A_47], %broadcast_in_dim3A_15 {strides = array<i32>} : memref<512xi32, #tpu.memory_space<vmem>>, vector<16xi32>,
    %swap3A_49 = arith.constant 272 : index
    %swap3A_50 = tpu.vector_load %arg11[%swap3A_49] {strides = array<i32>} : memref<512xi32, #tpu.memory_space<vmem>>, vector<16xi32>,
    tpu.vector_store %arg11[%swap3A_49], %broadcast_in_dim3A_15 {strides = array<i32>} : memref<512xi32, #tpu.memory_space<vmem>>, vector<16xi32>,
    %swap3A_51 = arith.constant 288 : index
    %swap3A_52 = tpu.vector_load %arg11[%swap3A_51] {strides = array<i32>} : memref<512xi32, #tpu.memory_space<vmem>>, vector<16xi32>,
    tpu.vector_store %arg11[%swap3A_51], %broadcast_in_dim3A_15 {strides = array<i32>} : memref<512xi32, #tpu.memory_space<vmem>>, vector<16xi32>,
    %swap3A_53 = arith.constant 304 : index
    %swap3A_54 = tpu.vector_load %arg11[%swap3A_53] {strides = array<i32>} : memref<512xi32, #tpu.memory_space<vmem>>, vector<16xi32>,
    tpu.vector_store %arg11[%swap3A_53], %broadcast_in_dim3A_15 {strides = array<i32>} : memref<512xi32, #tpu.memory_space<vmem>>, vector<16xi32>,
    %swap3A_55 = arith.constant 320 : index
    %swap3A_56 = tpu.vector_load %arg11[%swap3A_55] {strides = array<i32>} : memref<512xi32, #tpu.memory_space<vmem>>, vector<16xi32>,
    tpu.vector_store %arg11[%swap3A_55], %broadcast_in_dim3A_15 {strides = array<i32>} : memref<512xi32, #tpu.memory_space<vmem>>, vector<16xi32>,
    %swap3A_57 = arith.constant 336 : index
    %swap3A_58 = tpu.vector_load %arg11[%swap3A_57] {strides = array<i32>} : memref<512xi32, #tpu.memory_space<vmem>>, vector<16xi32>,
    tpu.vector_store %arg11[%swap3A_57], %broadcast_in_dim3A_15 {strides = array<i32>} : memref<512xi32, #tpu.memory_space<vmem>>, vector<16xi32>,
    %swap3A_59 = arith.constant 352 : index
    %swap3A_60 = tpu.vector_load %arg11[%swap3A_59] {strides = array<i32>} : memref<512xi32, #tpu.memory_space<vmem>>, vector<16xi32>,
    tpu.vector_store %arg11[%swap3A_59], %broadcast_in_dim3A_15 {strides = array<i32>} : memref<512xi32, #tpu.memory_space<vmem>>, vector<16xi32>,
    %swap3A_61 = arith.constant 368 : index
    %swap3A_62 = tpu.vector_load %arg11[%swap3A_61] {strides = array<i32>} : memref<512xi32, #tpu.memory_space<vmem>>, vector<16xi32>,
    tpu.vector_store %arg11[%swap3A_61], %broadcast_in_dim3A_15 {strides = array<i32>} : memref<512xi32, #tpu.memory_space<vmem>>, vector<16xi32>,
    %swap3A_63 = arith.constant 384 : index
    %swap3A_64 = tpu.vector_load %arg11[%swap3A_63] {strides = array<i32>} : memref<512xi32, #tpu.memory_space<vmem>>, vector<16xi32>,
    tpu.vector_store %arg11[%swap3A_63], %broadcast_in_dim3A_15 {strides = array<i32>} : memref<512xi32, #tpu.memory_space<vmem>>, vector<16xi32>,
    %swap3A_65 = arith.constant 400 : index
    %swap3A_66 = tpu.vector_load %arg11[%swap3A_65] {strides = array<i32>} : memref<512xi32, #tpu.memory_space<vmem>>, vector<16xi32>,
    tpu.vector_store %arg11[%swap3A_65], %broadcast_in_dim3A_15 {strides = array<i32>} : memref<512xi32, #tpu.memory_space<vmem>>, vector<16xi32>,
    %swap3A_67 = arith.constant 416 : index
    %swap3A_68 = tpu.vector_load %arg11[%swap3A_67] {strides = array<i32>} : memref<512xi32, #tpu.memory_space<vmem>>, vector<16xi32>,
    tpu.vector_store %arg11[%swap3A_67], %broadcast_in_dim3A_15 {strides = array<i32>} : memref<512xi32, #tpu.memory_space<vmem>>, vector<16xi32>,
    %swap3A_69 = arith.constant 432 : index
    %swap3A_70 = tpu.vector_load %arg11[%swap3A_69] {strides = array<i32>} : memref<512xi32, #tpu.memory_space<vmem>>, vector<16xi32>,
    tpu.vector_store %arg11[%swap3A_69], %broadcast_in_dim3A_15 {strides = array<i32>} : memref<512xi32, #tpu.memory_space<vmem>>, vector<16xi32>,
    %swap3A_71 = arith.constant 448 : index
    %swap3A_72 = tpu.vector_load %arg11[%swap3A_71] {strides = array<i32>} : memref<512xi32, #tpu.memory_space<vmem>>, vector<16xi32>,
    tpu.vector_store %arg11[%swap3A_71], %broadcast_in_dim3A_15 {strides = array<i32>} : memref<512xi32, #tpu.memory_space<vmem>>, vector<16xi32>,
    %swap3A_73 = arith.constant 464 : index
    %swap3A_74 = tpu.vector_load %arg11[%swap3A_73] {strides = array<i32>} : memref<512xi32, #tpu.memory_space<vmem>>, vector<16xi32>,
    tpu.vector_store %arg11[%swap3A_73], %broadcast_in_dim3A_15 {strides = array<i32>} : memref<512xi32, #tpu.memory_space<vmem>>, vector<16xi32>,
    %swap3A_75 = arith.constant 480 : index
    %swap3A_76 = tpu.vector_load %arg11[%swap3A_75] {strides = array<i32>} : memref<512xi32, #tpu.memory_space<vmem>>, vector<16xi32>,
    tpu.vector_store %arg11[%swap3A_75], %broadcast_in_dim3A_15 {strides = array<i32>} : memref<512xi32, #tpu.memory_space<vmem>>, vector<16xi32>,
    %swap3A_77 = arith.constant 496 : index
    %swap3A_78 = tpu.vector_load %arg11[%swap3A_77] {strides = array<i32>} : memref<512xi32, #tpu.memory_space<vmem>>, vector<16xi32>,
    tpu.vector_store %arg11[%swap3A_77], %broadcast_in_dim3A_15 {strides = array<i32>} : memref<512xi32, #tpu.memory_space<vmem>>, vector<16xi32>,
    %dma_start3A_79 = arith.constant 0 : i32
    %dma_start3A_80 = tpu.memref_slice %arg6[%arg1, %dma_start3A_79] : memref<16x512xi32, #tpu.memory_space<hbm>> -> memref<1x512xi32, #tpu.memory_space<hbm>>
    %dma_start3A_81 = tpu.memref_squeeze %dma_start3A_80 : memref<1x512xi32, #tpu.memory_space<hbm>> -> memref<512xi32, #tpu.memory_space<hbm>>
    %dma_start3A_82 = arith.constant 0 : i32
    %dma_start3A_83 = tpu.memref_slice %arg6[%arg1, %dma_start3A_82] : memref<16x512xi32, #tpu.memory_space<hbm>> -> memref<1x512xi32, #tpu.memory_space<hbm>>
    %dma_start3A_84 = tpu.memref_squeeze %dma_start3A_83 : memref<1x512xi32, #tpu.memory_space<hbm>> -> memref<512xi32, #tpu.memory_space<hbm>>
    tpu.enqueue_dma source(%arg11 : memref<512xi32, #tpu.memory_space<vmem>>) target(%dma_start3A_84 : memref<512xi32, #tpu.memory_space<hbm>>) target_semaphore(%arg13 : memref<!tpu.dma_semaphore, #tpu.memory_space<semaphore_mem>>)
    %dma_wait3A = arith.constant 0 : i32
    %dma_wait3A_85 = tpu.memref_slice %arg7[%dma_wait3A] : memref<32xi32, #tpu.memory_space<vmem>> -> memref<16xi32, #tpu.memory_space<vmem>>
    %dma_wait3A_86 = arith.constant 0 : i32
    %dma_wait3A_87 = tpu.memref_slice %arg3[%dma_wait3A_86] : memref<17xi32, #tpu.memory_space<hbm>> -> memref<16xi32, #tpu.memory_space<hbm>>
    %dma_wait3A_88 = arith.constant 0 : i32
    %dma_wait3A_89 = tpu.memref_slice %arg7[%dma_wait3A_88] : memref<32xi32, #tpu.memory_space<vmem>> -> memref<16xi32, #tpu.memory_space<vmem>>
    %dma_wait3A_90 = arith.constant 0 : i32
    %dma_wait3A_91 = tpu.memref_slice %arg3[%dma_wait3A_90] : memref<17xi32, #tpu.memory_space<hbm>> -> memref<16xi32, #tpu.memory_space<hbm>>
    tpu.wait_dma2 semaphore(%arg12 : memref<!tpu.dma_semaphore, #tpu.memory_space<semaphore_mem>>) src(%dma_wait3A_91 : memref<16xi32, #tpu.memory_space<hbm>>) dst(%dma_wait3A_89 : memref<16xi32, #tpu.memory_space<vmem>>)
    %dma_wait3A_92 = arith.constant 16 : i32
    %dma_wait3A_93 = tpu.memref_slice %arg7[%dma_wait3A_92] : memref<32xi32, #tpu.memory_space<vmem>> -> memref<1xi32, #tpu.memory_space<vmem>>
    %dma_wait3A_94 = arith.constant 16 : i32
    %dma_wait3A_95 = tpu.memref_slice %arg3[%dma_wait3A_94] : memref<17xi32, #tpu.memory_space<hbm>> -> memref<1xi32, #tpu.memory_space<hbm>>
    %dma_wait3A_96 = arith.constant 16 : i32
    %dma_wait3A_97 = tpu.memref_slice %arg7[%dma_wait3A_96] : memref<32xi32, #tpu.memory_space<vmem>> -> memref<1xi32, #tpu.memory_space<vmem>>
    %dma_wait3A_98 = arith.constant 16 : i32
    %dma_wait3A_99 = tpu.memref_slice %arg3[%dma_wait3A_98] : memref<17xi32, #tpu.memory_space<hbm>> -> memref<1xi32, #tpu.memory_space<hbm>>
    tpu.wait_dma2 semaphore(%arg12 : memref<!tpu.dma_semaphore, #tpu.memory_space<semaphore_mem>>) src(%dma_wait3A_99 : memref<1xi32, #tpu.memory_space<hbm>>) dst(%dma_wait3A_97 : memref<1xi32, #tpu.memory_space<vmem>>)
    %iota3A = tpu.iota {dimensions = array<i32: 0>} : vector<16xi32>
    %get3A = arith.constant 0 : index
    %get3A_100 = tpu.vector_load %arg7[%get3A] {strides = array<i32>} : memref<32xi32, #tpu.memory_space<vmem>>, vector<16xi32>,
    %get3A_101 = arith.constant 16 : index
    %get3A_102 = tpu.vector_load %arg7[%get3A_101] {strides = array<i32>} : memref<32xi32, #tpu.memory_space<vmem>>, vector<16xi32>,
    %eq3A = vector.broadcast %arg1 : i32 to vector<16xi32>
    %eq3A_103 = arith.cmpi eq, %iota3A, %eq3A : vector<16xi32>
    %jit3A = arith.constant 0 : i32
    %broadcast_in_dim3A_104 = vector.broadcast %jit3A : i32 to vector<16xi32>
    %select_n3A = arith.select %eq3A_103, %get3A_100, %broadcast_in_dim3A_104 : vector<16xi1>, vector<16xi32>
    %reduce_sum3A = arith.constant true
    %reduce_sum3A_105 = vector.broadcast %reduce_sum3A : i1 to vector<16xi1>
    %reduce_sum3A_106 = tpu.scan <sum>, %select_n3A masked %reduce_sum3A_105 : vector<16xi32>, vector<16xi1> -> vector<16xi32>
    %reduce_sum3A_107 = vector.extract %reduce_sum3A_106[15] : i32 from vector<16xi32>
    %add3A = arith.constant 1 : i32
    %add3A_108 = arith.addi %arg1, %add3A : i32
    %eq3A_109 = vector.broadcast %add3A_108 : i32 to vector<16xi32>
    %eq3A_110 = arith.cmpi eq, %iota3A, %eq3A_109 : vector<16xi32>
    %jit3A_111 = arith.constant 0 : i32
    %broadcast_in_dim3A_112 = vector.broadcast %jit3A_111 : i32 to vector<16xi32>
    %select_n3A_113 = arith.select %eq3A_110, %get3A_100, %broadcast_in_dim3A_112 : vector<16xi1>, vector<16xi32>
    %reduce_sum3A_114 = arith.constant true
    %reduce_sum3A_115 = vector.broadcast %reduce_sum3A_114 : i1 to vector<16xi1>
    %reduce_sum3A_116 = tpu.scan <sum>, %select_n3A_113 masked %reduce_sum3A_115 : vector<16xi32>, vector<16xi1> -> vector<16xi32>
    %reduce_sum3A_117 = vector.extract %reduce_sum3A_116[15] : i32 from vector<16xi32>
    %add3A_118 = arith.constant 16 : i32
    %add3A_119 = vector.broadcast %add3A_118 : i32 to vector<16xi32>
    %add3A_120 = arith.addi %iota3A, %add3A_119 : vector<16xi32>
    %add3A_121 = arith.constant 1 : i32
    %add3A_122 = arith.addi %arg1, %add3A_121 : i32
    %eq3A_123 = vector.broadcast %add3A_122 : i32 to vector<16xi32>
    %eq3A_124 = arith.cmpi eq, %add3A_120, %eq3A_123 : vector<16xi32>
    %jit3A_125 = arith.constant 0 : i32
    %broadcast_in_dim3A_126 = vector.broadcast %jit3A_125 : i32 to vector<16xi32>
    %select_n3A_127 = arith.select %eq3A_124, %get3A_102, %broadcast_in_dim3A_126 : vector<16xi1>, vector<16xi32>
    %reduce_sum3A_128 = arith.constant true
    %reduce_sum3A_129 = vector.broadcast %reduce_sum3A_128 : i1 to vector<16xi1>
    %reduce_sum3A_130 = tpu.scan <sum>, %select_n3A_127 masked %reduce_sum3A_129 : vector<16xi32>, vector<16xi1> -> vector<16xi32>
    %reduce_sum3A_131 = vector.extract %reduce_sum3A_130[15] : i32 from vector<16xi32>
    %add3A_132 = arith.addi %reduce_sum3A_117, %reduce_sum3A_131 : i32
    %sub3A = arith.subi %add3A_132, %reduce_sum3A_107 : i32
    %min3A = arith.constant 510 : i32
    %min3A_133 = arith.minsi %sub3A, %min3A : i32
    %add3A_134 = arith.constant 1 : i32
    %add3A_135 = arith.addi %min3A_133, %add3A_134 : i32
    %sub3A_136 = arith.constant 8 : i32
    %sub3A_137 = arith.subi %reduce_sum3A_107, %sub3A_136 : i32
    %max3A = arith.constant 0 : i32
    %max3A_138 = arith.maxsi %sub3A_137, %max3A : i32
    %shift_right_arithmetic3A = arith.constant 3 : i32
    %shift_right_arithmetic3A_139 = arith.shrsi %max3A_138, %shift_right_arithmetic3A : i32
    %shift_left3A = arith.constant 3 : i32
    %shift_left3A_140 = arith.shli %shift_right_arithmetic3A_139, %shift_left3A : i32
    %min3A_141 = arith.constant 32240 : i32
    %min3A_142 = arith.minsi %shift_left3A_140, %min3A_141 : i32
    %multiple_of3A = tpu.assume_multiple %min3A_142, 8 : i32
    "tpu.region"() ({
      %run_scoped3A = tpu.sem_alloc : memref<!tpu.dma_semaphore, #tpu.memory_space<semaphore_mem>>
      %dma_start3A_1394 = tpu.memref_slice %arg2[%multiple_of3A] : memref<32768xi32, #tpu.memory_space<hbm>> -> memref<528xi32, #tpu.memory_space<hbm>>
      %dma_start3A_1395 = tpu.memref_slice %arg2[%multiple_of3A] : memref<32768xi32, #tpu.memory_space<hbm>> -> memref<528xi32, #tpu.memory_space<hbm>>
      tpu.enqueue_dma source(%dma_start3A_1395 : memref<528xi32, #tpu.memory_space<hbm>>) target(%arg8 : memref<528xi32, #tpu.memory_space<vmem>>) target_semaphore(%run_scoped3A : memref<!tpu.dma_semaphore, #tpu.memory_space<semaphore_mem>>)
      %dma_wait3A_1396 = tpu.memref_slice %arg2[%multiple_of3A] : memref<32768xi32, #tpu.memory_space<hbm>> -> memref<528xi32, #tpu.memory_space<hbm>>
      %dma_wait3A_1397 = tpu.memref_slice %arg2[%multiple_of3A] : memref<32768xi32, #tpu.memory_space<hbm>> -> memref<528xi32, #tpu.memory_space<hbm>>
      tpu.wait_dma2 semaphore(%run_scoped3A : memref<!tpu.dma_semaphore, #tpu.memory_space<semaphore_mem>>) src(%dma_wait3A_1397 : memref<528xi32, #tpu.memory_space<hbm>>) dst(%arg8 : memref<528xi32, #tpu.memory_space<vmem>>)
      tpu.yield
    }) : () -> ()
    %sub3A_143 = arith.subi %reduce_sum3A_107, %multiple_of3A : i32
    %add3A_144 = arith.constant 0 : i32
    %add3A_145 = vector.broadcast %add3A_144 : i32 to vector<16xi32>
    %add3A_146 = arith.addi %iota3A, %add3A_145 : vector<16xi32>
    %add3A_147 = arith.constant 0 : i32
    %add3A_148 = arith.addi %sub3A_143, %add3A_147 : i32
    %add3A_149 = vector.broadcast %add3A_148 : i32 to vector<16xi32>
    %add3A_150 = arith.addi %add3A_149, %iota3A : vector<16xi32>
    %sub3A_151 = arith.constant 1 : i32
    %sub3A_152 = vector.broadcast %sub3A_151 : i32 to vector<16xi32>
    %sub3A_153 = arith.subi %add3A_150, %sub3A_152 : vector<16xi32>
    %jit3A_154 = arith.constant 0 : i32
    %jit3A_155 = arith.constant 527 : i32
    %max3A_156 = vector.broadcast %jit3A_154 : i32 to vector<16xi32>
    %max3A_157 = arith.maxsi %max3A_156, %sub3A_153 : vector<16xi32>
    %min3A_158 = vector.broadcast %jit3A_155 : i32 to vector<16xi32>
    %min3A_159 = arith.minsi %min3A_158, %max3A_157 : vector<16xi32>
    %gather3A = tpu.vector_load_idx %arg8[%min3A_159] : memref<528xi32, #tpu.memory_space<vmem>>[vector<16xi32>], vector<16xi32>,
    %le3A = vector.broadcast %min3A_133 : i32 to vector<16xi32>
    %le3A_160 = arith.cmpi sle, %add3A_146, %le3A : vector<16xi32>
    %eq3A_161 = vector.broadcast %add3A_135 : i32 to vector<16xi32>
    %eq3A_162 = arith.cmpi eq, %add3A_146, %eq3A_161 : vector<16xi32>
    %jit3A_163 = arith.constant 2 : i32
    %jit3A_164 = arith.constant 1 : i32
    %broadcast_in_dim3A_165 = vector.broadcast %jit3A_163 : i32 to vector<16xi32>
    %broadcast_in_dim3A_166 = vector.broadcast %jit3A_164 : i32 to vector<16xi32>
    %select_n3A_167 = arith.select %eq3A_162, %broadcast_in_dim3A_165, %broadcast_in_dim3A_166 : vector<16xi1>, vector<16xi32>
    %select_n3A_168 = arith.select %le3A_160, %gather3A, %select_n3A_167 : vector<16xi1>, vector<16xi32>
    %eq3A_169 = arith.constant 0 : i32
    %eq3A_170 = vector.broadcast %eq3A_169 : i32 to vector<16xi32>
    %eq3A_171 = arith.cmpi eq, %add3A_146, %eq3A_170 : vector<16xi32>
    %jit3A_172 = arith.constant 0 : i32
    %broadcast_in_dim3A_173 = vector.broadcast %jit3A_172 : i32 to vector<16xi32>
    %select_n3A_174 = arith.select %eq3A_171, %broadcast_in_dim3A_173, %select_n3A_168 : vector<16xi1>, vector<16xi32>
    %swap3A_175 = arith.constant 0 : index
    %swap3A_176 = tpu.vector_load %arg9[%swap3A_175] {strides = array<i32>} : memref<512xi32, #tpu.memory_space<vmem>>, vector<16xi32>,
    tpu.vector_store %arg9[%swap3A_175], %select_n3A_174 {strides = array<i32>} : memref<512xi32, #tpu.memory_space<vmem>>, vector<16xi32>,
    %le3A_177 = vector.broadcast %add3A_135 : i32 to vector<16xi32>
    %le3A_178 = arith.cmpi sle, %add3A_146, %le3A_177 : vector<16xi32>
    %jit3A_179 = arith.constant 1 : i32
    %jit3A_180 = arith.constant 0 : i32
    %broadcast_in_dim3A_181 = vector.broadcast %jit3A_179 : i32 to vector<16xi32>
    %broadcast_in_dim3A_182 = vector.broadcast %jit3A_180 : i32 to vector<16xi32>
    %select_n3A_183 = arith.select %le3A_178, %broadcast_in_dim3A_181, %broadcast_in_dim3A_182 : vector<16xi1>, vector<16xi32>
    %swap3A_184 = arith.constant 0 : index
    %swap3A_185 = tpu.vector_load %arg10[%swap3A_184] {strides = array<i32>} : memref<512xi32, #tpu.memory_space<vmem>>, vector<16xi32>,
    tpu.vector_store %arg10[%swap3A_184], %select_n3A_183 {strides = array<i32>} : memref<512xi32, #tpu.memory_space<vmem>>, vector<16xi32>,
    %add3A_186 = arith.constant 16 : i32
    %add3A_187 = vector.broadcast %add3A_186 : i32 to vector<16xi32>
    %add3A_188 = arith.addi %iota3A, %add3A_187 : vector<16xi32>
    %add3A_189 = arith.constant 16 : i32
    %add3A_190 = arith.addi %sub3A_143, %add3A_189 : i32
    %add3A_191 = vector.broadcast %add3A_190 : i32 to vector<16xi32>
    %add3A_192 = arith.addi %add3A_191, %iota3A : vector<16xi32>
    %sub3A_193 = arith.constant 1 : i32
    %sub3A_194 = vector.broadcast %sub3A_193 : i32 to vector<16xi32>
    %sub3A_195 = arith.subi %add3A_192, %sub3A_194 : vector<16xi32>
    %jit3A_196 = arith.constant 0 : i32
    %jit3A_197 = arith.constant 527 : i32
    %max3A_198 = vector.broadcast %jit3A_196 : i32 to vector<16xi32>
    %max3A_199 = arith.maxsi %max3A_198, %sub3A_195 : vector<16xi32>
    %min3A_200 = vector.broadcast %jit3A_197 : i32 to vector<16xi32>
    %min3A_201 = arith.minsi %min3A_200, %max3A_199 : vector<16xi32>
    %gather3A_202 = tpu.vector_load_idx %arg8[%min3A_201] : memref<528xi32, #tpu.memory_space<vmem>>[vector<16xi32>], vector<16xi32>,
    %le3A_203 = vector.broadcast %min3A_133 : i32 to vector<16xi32>
    %le3A_204 = arith.cmpi sle, %add3A_188, %le3A_203 : vector<16xi32>
    %eq3A_205 = vector.broadcast %add3A_135 : i32 to vector<16xi32>
    %eq3A_206 = arith.cmpi eq, %add3A_188, %eq3A_205 : vector<16xi32>
    %jit3A_207 = arith.constant 2 : i32
    %jit3A_208 = arith.constant 1 : i32
    %broadcast_in_dim3A_209 = vector.broadcast %jit3A_207 : i32 to vector<16xi32>
    %broadcast_in_dim3A_210 = vector.broadcast %jit3A_208 : i32 to vector<16xi32>
    %select_n3A_211 = arith.select %eq3A_206, %broadcast_in_dim3A_209, %broadcast_in_dim3A_210 : vector<16xi1>, vector<16xi32>
    %select_n3A_212 = arith.select %le3A_204, %gather3A_202, %select_n3A_211 : vector<16xi1>, vector<16xi32>
    %swap3A_213 = arith.constant 16 : index
    %swap3A_214 = tpu.vector_load %arg9[%swap3A_213] {strides = array<i32>} : memref<512xi32, #tpu.memory_space<vmem>>, vector<16xi32>,
    tpu.vector_store %arg9[%swap3A_213], %select_n3A_212 {strides = array<i32>} : memref<512xi32, #tpu.memory_space<vmem>>, vector<16xi32>,
    %le3A_215 = vector.broadcast %add3A_135 : i32 to vector<16xi32>
    %le3A_216 = arith.cmpi sle, %add3A_188, %le3A_215 : vector<16xi32>
    %jit3A_217 = arith.constant 1 : i32
    %jit3A_218 = arith.constant 0 : i32
    %broadcast_in_dim3A_219 = vector.broadcast %jit3A_217 : i32 to vector<16xi32>
    %broadcast_in_dim3A_220 = vector.broadcast %jit3A_218 : i32 to vector<16xi32>
    %select_n3A_221 = arith.select %le3A_216, %broadcast_in_dim3A_219, %broadcast_in_dim3A_220 : vector<16xi1>, vector<16xi32>
    %swap3A_222 = arith.constant 16 : index
    %swap3A_223 = tpu.vector_load %arg10[%swap3A_222] {strides = array<i32>} : memref<512xi32, #tpu.memory_space<vmem>>, vector<16xi32>,
    tpu.vector_store %arg10[%swap3A_222], %select_n3A_221 {strides = array<i32>} : memref<512xi32, #tpu.memory_space<vmem>>, vector<16xi32>,
    %add3A_224 = arith.constant 32 : i32
    %add3A_225 = vector.broadcast %add3A_224 : i32 to vector<16xi32>
    %add3A_226 = arith.addi %iota3A, %add3A_225 : vector<16xi32>
    %add3A_227 = arith.constant 32 : i32
    %add3A_228 = arith.addi %sub3A_143, %add3A_227 : i32
    %add3A_229 = vector.broadcast %add3A_228 : i32 to vector<16xi32>
    %add3A_230 = arith.addi %add3A_229, %iota3A : vector<16xi32>
    %sub3A_231 = arith.constant 1 : i32
    %sub3A_232 = vector.broadcast %sub3A_231 : i32 to vector<16xi32>
    %sub3A_233 = arith.subi %add3A_230, %sub3A_232 : vector<16xi32>
    %jit3A_234 = arith.constant 0 : i32
    %jit3A_235 = arith.constant 527 : i32
    %max3A_236 = vector.broadcast %jit3A_234 : i32 to vector<16xi32>
    %max3A_237 = arith.maxsi %max3A_236, %sub3A_233 : vector<16xi32>
    %min3A_238 = vector.broadcast %jit3A_235 : i32 to vector<16xi32>
    %min3A_239 = arith.minsi %min3A_238, %max3A_237 : vector<16xi32>
    %gather3A_240 = tpu.vector_load_idx %arg8[%min3A_239] : memref<528xi32, #tpu.memory_space<vmem>>[vector<16xi32>], vector<16xi32>,
    %le3A_241 = vector.broadcast %min3A_133 : i32 to vector<16xi32>
    %le3A_242 = arith.cmpi sle, %add3A_226, %le3A_241 : vector<16xi32>
    %eq3A_243 = vector.broadcast %add3A_135 : i32 to vector<16xi32>
    %eq3A_244 = arith.cmpi eq, %add3A_226, %eq3A_243 : vector<16xi32>
    %jit3A_245 = arith.constant 2 : i32
    %jit3A_246 = arith.constant 1 : i32
    %broadcast_in_dim3A_247 = vector.broadcast %jit3A_245 : i32 to vector<16xi32>
    %broadcast_in_dim3A_248 = vector.broadcast %jit3A_246 : i32 to vector<16xi32>
    %select_n3A_249 = arith.select %eq3A_244, %broadcast_in_dim3A_247, %broadcast_in_dim3A_248 : vector<16xi1>, vector<16xi32>
    %select_n3A_250 = arith.select %le3A_242, %gather3A_240, %select_n3A_249 : vector<16xi1>, vector<16xi32>
    %swap3A_251 = arith.constant 32 : index
    %swap3A_252 = tpu.vector_load %arg9[%swap3A_251] {strides = array<i32>} : memref<512xi32, #tpu.memory_space<vmem>>, vector<16xi32>,
    tpu.vector_store %arg9[%swap3A_251], %select_n3A_250 {strides = array<i32>} : memref<512xi32, #tpu.memory_space<vmem>>, vector<16xi32>,
    %le3A_253 = vector.broadcast %add3A_135 : i32 to vector<16xi32>
    %le3A_254 = arith.cmpi sle, %add3A_226, %le3A_253 : vector<16xi32>
    %jit3A_255 = arith.constant 1 : i32
    %jit3A_256 = arith.constant 0 : i32
    %broadcast_in_dim3A_257 = vector.broadcast %jit3A_255 : i32 to vector<16xi32>
    %broadcast_in_dim3A_258 = vector.broadcast %jit3A_256 : i32 to vector<16xi32>
    %select_n3A_259 = arith.select %le3A_254, %broadcast_in_dim3A_257, %broadcast_in_dim3A_258 : vector<16xi1>, vector<16xi32>
    %swap3A_260 = arith.constant 32 : index
    %swap3A_261 = tpu.vector_load %arg10[%swap3A_260] {strides = array<i32>} : memref<512xi32, #tpu.memory_space<vmem>>, vector<16xi32>,
    tpu.vector_store %arg10[%swap3A_260], %select_n3A_259 {strides = array<i32>} : memref<512xi32, #tpu.memory_space<vmem>>, vector<16xi32>,
    %add3A_262 = arith.constant 48 : i32
    %add3A_263 = vector.broadcast %add3A_262 : i32 to vector<16xi32>
    %add3A_264 = arith.addi %iota3A, %add3A_263 : vector<16xi32>
    %add3A_265 = arith.constant 48 : i32
    %add3A_266 = arith.addi %sub3A_143, %add3A_265 : i32
    %add3A_267 = vector.broadcast %add3A_266 : i32 to vector<16xi32>
    %add3A_268 = arith.addi %add3A_267, %iota3A : vector<16xi32>
    %sub3A_269 = arith.constant 1 : i32
    %sub3A_270 = vector.broadcast %sub3A_269 : i32 to vector<16xi32>
    %sub3A_271 = arith.subi %add3A_268, %sub3A_270 : vector<16xi32>
    %jit3A_272 = arith.constant 0 : i32
    %jit3A_273 = arith.constant 527 : i32
    %max3A_274 = vector.broadcast %jit3A_272 : i32 to vector<16xi32>
    %max3A_275 = arith.maxsi %max3A_274, %sub3A_271 : vector<16xi32>
    %min3A_276 = vector.broadcast %jit3A_273 : i32 to vector<16xi32>
    %min3A_277 = arith.minsi %min3A_276, %max3A_275 : vector<16xi32>
    %gather3A_278 = tpu.vector_load_idx %arg8[%min3A_277] : memref<528xi32, #tpu.memory_space<vmem>>[vector<16xi32>], vector<16xi32>,
    %le3A_279 = vector.broadcast %min3A_133 : i32 to vector<16xi32>
    %le3A_280 = arith.cmpi sle, %add3A_264, %le3A_279 : vector<16xi32>
    %eq3A_281 = vector.broadcast %add3A_135 : i32 to vector<16xi32>
    %eq3A_282 = arith.cmpi eq, %add3A_264, %eq3A_281 : vector<16xi32>
    %jit3A_283 = arith.constant 2 : i32
    %jit3A_284 = arith.constant 1 : i32
    %broadcast_in_dim3A_285 = vector.broadcast %jit3A_283 : i32 to vector<16xi32>
    %broadcast_in_dim3A_286 = vector.broadcast %jit3A_284 : i32 to vector<16xi32>
    %select_n3A_287 = arith.select %eq3A_282, %broadcast_in_dim3A_285, %broadcast_in_dim3A_286 : vector<16xi1>, vector<16xi32>
    %select_n3A_288 = arith.select %le3A_280, %gather3A_278, %select_n3A_287 : vector<16xi1>, vector<16xi32>
    %swap3A_289 = arith.constant 48 : index
    %swap3A_290 = tpu.vector_load %arg9[%swap3A_289] {strides = array<i32>} : memref<512xi32, #tpu.memory_space<vmem>>, vector<16xi32>,
    tpu.vector_store %arg9[%swap3A_289], %select_n3A_288 {strides = array<i32>} : memref<512xi32, #tpu.memory_space<vmem>>, vector<16xi32>,
    %le3A_291 = vector.broadcast %add3A_135 : i32 to vector<16xi32>
    %le3A_292 = arith.cmpi sle, %add3A_264, %le3A_291 : vector<16xi32>
    %jit3A_293 = arith.constant 1 : i32
    %jit3A_294 = arith.constant 0 : i32
    %broadcast_in_dim3A_295 = vector.broadcast %jit3A_293 : i32 to vector<16xi32>
    %broadcast_in_dim3A_296 = vector.broadcast %jit3A_294 : i32 to vector<16xi32>
    %select_n3A_297 = arith.select %le3A_292, %broadcast_in_dim3A_295, %broadcast_in_dim3A_296 : vector<16xi1>, vector<16xi32>
    %swap3A_298 = arith.constant 48 : index
    %swap3A_299 = tpu.vector_load %arg10[%swap3A_298] {strides = array<i32>} : memref<512xi32, #tpu.memory_space<vmem>>, vector<16xi32>,
    tpu.vector_store %arg10[%swap3A_298], %select_n3A_297 {strides = array<i32>} : memref<512xi32, #tpu.memory_space<vmem>>, vector<16xi32>,
    %add3A_300 = arith.constant 64 : i32
    %add3A_301 = vector.broadcast %add3A_300 : i32 to vector<16xi32>
    %add3A_302 = arith.addi %iota3A, %add3A_301 : vector<16xi32>
    %add3A_303 = arith.constant 64 : i32
    %add3A_304 = arith.addi %sub3A_143, %add3A_303 : i32
    %add3A_305 = vector.broadcast %add3A_304 : i32 to vector<16xi32>
    %add3A_306 = arith.addi %add3A_305, %iota3A : vector<16xi32>
    %sub3A_307 = arith.constant 1 : i32
    %sub3A_308 = vector.broadcast %sub3A_307 : i32 to vector<16xi32>
    %sub3A_309 = arith.subi %add3A_306, %sub3A_308 : vector<16xi32>
    %jit3A_310 = arith.constant 0 : i32
    %jit3A_311 = arith.constant 527 : i32
    %max3A_312 = vector.broadcast %jit3A_310 : i32 to vector<16xi32>
    %max3A_313 = arith.maxsi %max3A_312, %sub3A_309 : vector<16xi32>
    %min3A_314 = vector.broadcast %jit3A_311 : i32 to vector<16xi32>
    %min3A_315 = arith.minsi %min3A_314, %max3A_313 : vector<16xi32>
    %gather3A_316 = tpu.vector_load_idx %arg8[%min3A_315] : memref<528xi32, #tpu.memory_space<vmem>>[vector<16xi32>], vector<16xi32>,
    %le3A_317 = vector.broadcast %min3A_133 : i32 to vector<16xi32>
    %le3A_318 = arith.cmpi sle, %add3A_302, %le3A_317 : vector<16xi32>
    %eq3A_319 = vector.broadcast %add3A_135 : i32 to vector<16xi32>
    %eq3A_320 = arith.cmpi eq, %add3A_302, %eq3A_319 : vector<16xi32>
    %jit3A_321 = arith.constant 2 : i32
    %jit3A_322 = arith.constant 1 : i32
    %broadcast_in_dim3A_323 = vector.broadcast %jit3A_321 : i32 to vector<16xi32>
    %broadcast_in_dim3A_324 = vector.broadcast %jit3A_322 : i32 to vector<16xi32>
    %select_n3A_325 = arith.select %eq3A_320, %broadcast_in_dim3A_323, %broadcast_in_dim3A_324 : vector<16xi1>, vector<16xi32>
    %select_n3A_326 = arith.select %le3A_318, %gather3A_316, %select_n3A_325 : vector<16xi1>, vector<16xi32>
    %swap3A_327 = arith.constant 64 : index
    %swap3A_328 = tpu.vector_load %arg9[%swap3A_327] {strides = array<i32>} : memref<512xi32, #tpu.memory_space<vmem>>, vector<16xi32>,
    tpu.vector_store %arg9[%swap3A_327], %select_n3A_326 {strides = array<i32>} : memref<512xi32, #tpu.memory_space<vmem>>, vector<16xi32>,
    %le3A_329 = vector.broadcast %add3A_135 : i32 to vector<16xi32>
    %le3A_330 = arith.cmpi sle, %add3A_302, %le3A_329 : vector<16xi32>
    %jit3A_331 = arith.constant 1 : i32
    %jit3A_332 = arith.constant 0 : i32
    %broadcast_in_dim3A_333 = vector.broadcast %jit3A_331 : i32 to vector<16xi32>
    %broadcast_in_dim3A_334 = vector.broadcast %jit3A_332 : i32 to vector<16xi32>
    %select_n3A_335 = arith.select %le3A_330, %broadcast_in_dim3A_333, %broadcast_in_dim3A_334 : vector<16xi1>, vector<16xi32>
    %swap3A_336 = arith.constant 64 : index
    %swap3A_337 = tpu.vector_load %arg10[%swap3A_336] {strides = array<i32>} : memref<512xi32, #tpu.memory_space<vmem>>, vector<16xi32>,
    tpu.vector_store %arg10[%swap3A_336], %select_n3A_335 {strides = array<i32>} : memref<512xi32, #tpu.memory_space<vmem>>, vector<16xi32>,
    %add3A_338 = arith.constant 80 : i32
    %add3A_339 = vector.broadcast %add3A_338 : i32 to vector<16xi32>
    %add3A_340 = arith.addi %iota3A, %add3A_339 : vector<16xi32>
    %add3A_341 = arith.constant 80 : i32
    %add3A_342 = arith.addi %sub3A_143, %add3A_341 : i32
    %add3A_343 = vector.broadcast %add3A_342 : i32 to vector<16xi32>
    %add3A_344 = arith.addi %add3A_343, %iota3A : vector<16xi32>
    %sub3A_345 = arith.constant 1 : i32
    %sub3A_346 = vector.broadcast %sub3A_345 : i32 to vector<16xi32>
    %sub3A_347 = arith.subi %add3A_344, %sub3A_346 : vector<16xi32>
    %jit3A_348 = arith.constant 0 : i32
    %jit3A_349 = arith.constant 527 : i32
    %max3A_350 = vector.broadcast %jit3A_348 : i32 to vector<16xi32>
    %max3A_351 = arith.maxsi %max3A_350, %sub3A_347 : vector<16xi32>
    %min3A_352 = vector.broadcast %jit3A_349 : i32 to vector<16xi32>
    %min3A_353 = arith.minsi %min3A_352, %max3A_351 : vector<16xi32>
    %gather3A_354 = tpu.vector_load_idx %arg8[%min3A_353] : memref<528xi32, #tpu.memory_space<vmem>>[vector<16xi32>], vector<16xi32>,
    %le3A_355 = vector.broadcast %min3A_133 : i32 to vector<16xi32>
    %le3A_356 = arith.cmpi sle, %add3A_340, %le3A_355 : vector<16xi32>
    %eq3A_357 = vector.broadcast %add3A_135 : i32 to vector<16xi32>
    %eq3A_358 = arith.cmpi eq, %add3A_340, %eq3A_357 : vector<16xi32>
    %jit3A_359 = arith.constant 2 : i32
    %jit3A_360 = arith.constant 1 : i32
    %broadcast_in_dim3A_361 = vector.broadcast %jit3A_359 : i32 to vector<16xi32>
    %broadcast_in_dim3A_362 = vector.broadcast %jit3A_360 : i32 to vector<16xi32>
    %select_n3A_363 = arith.select %eq3A_358, %broadcast_in_dim3A_361, %broadcast_in_dim3A_362 : vector<16xi1>, vector<16xi32>
    %select_n3A_364 = arith.select %le3A_356, %gather3A_354, %select_n3A_363 : vector<16xi1>, vector<16xi32>
    %swap3A_365 = arith.constant 80 : index
    %swap3A_366 = tpu.vector_load %arg9[%swap3A_365] {strides = array<i32>} : memref<512xi32, #tpu.memory_space<vmem>>, vector<16xi32>,
    tpu.vector_store %arg9[%swap3A_365], %select_n3A_364 {strides = array<i32>} : memref<512xi32, #tpu.memory_space<vmem>>, vector<16xi32>,
    %le3A_367 = vector.broadcast %add3A_135 : i32 to vector<16xi32>
    %le3A_368 = arith.cmpi sle, %add3A_340, %le3A_367 : vector<16xi32>
    %jit3A_369 = arith.constant 1 : i32
    %jit3A_370 = arith.constant 0 : i32
    %broadcast_in_dim3A_371 = vector.broadcast %jit3A_369 : i32 to vector<16xi32>
    %broadcast_in_dim3A_372 = vector.broadcast %jit3A_370 : i32 to vector<16xi32>
    %select_n3A_373 = arith.select %le3A_368, %broadcast_in_dim3A_371, %broadcast_in_dim3A_372 : vector<16xi1>, vector<16xi32>
    %swap3A_374 = arith.constant 80 : index
    %swap3A_375 = tpu.vector_load %arg10[%swap3A_374] {strides = array<i32>} : memref<512xi32, #tpu.memory_space<vmem>>, vector<16xi32>,
    tpu.vector_store %arg10[%swap3A_374], %select_n3A_373 {strides = array<i32>} : memref<512xi32, #tpu.memory_space<vmem>>, vector<16xi32>,
    %add3A_376 = arith.constant 96 : i32
    %add3A_377 = vector.broadcast %add3A_376 : i32 to vector<16xi32>
    %add3A_378 = arith.addi %iota3A, %add3A_377 : vector<16xi32>
    %add3A_379 = arith.constant 96 : i32
    %add3A_380 = arith.addi %sub3A_143, %add3A_379 : i32
    %add3A_381 = vector.broadcast %add3A_380 : i32 to vector<16xi32>
    %add3A_382 = arith.addi %add3A_381, %iota3A : vector<16xi32>
    %sub3A_383 = arith.constant 1 : i32
    %sub3A_384 = vector.broadcast %sub3A_383 : i32 to vector<16xi32>
    %sub3A_385 = arith.subi %add3A_382, %sub3A_384 : vector<16xi32>
    %jit3A_386 = arith.constant 0 : i32
    %jit3A_387 = arith.constant 527 : i32
    %max3A_388 = vector.broadcast %jit3A_386 : i32 to vector<16xi32>
    %max3A_389 = arith.maxsi %max3A_388, %sub3A_385 : vector<16xi32>
    %min3A_390 = vector.broadcast %jit3A_387 : i32 to vector<16xi32>
    %min3A_391 = arith.minsi %min3A_390, %max3A_389 : vector<16xi32>
    %gather3A_392 = tpu.vector_load_idx %arg8[%min3A_391] : memref<528xi32, #tpu.memory_space<vmem>>[vector<16xi32>], vector<16xi32>,
    %le3A_393 = vector.broadcast %min3A_133 : i32 to vector<16xi32>
    %le3A_394 = arith.cmpi sle, %add3A_378, %le3A_393 : vector<16xi32>
    %eq3A_395 = vector.broadcast %add3A_135 : i32 to vector<16xi32>
    %eq3A_396 = arith.cmpi eq, %add3A_378, %eq3A_395 : vector<16xi32>
    %jit3A_397 = arith.constant 2 : i32
    %jit3A_398 = arith.constant 1 : i32
    %broadcast_in_dim3A_399 = vector.broadcast %jit3A_397 : i32 to vector<16xi32>
    %broadcast_in_dim3A_400 = vector.broadcast %jit3A_398 : i32 to vector<16xi32>
    %select_n3A_401 = arith.select %eq3A_396, %broadcast_in_dim3A_399, %broadcast_in_dim3A_400 : vector<16xi1>, vector<16xi32>
    %select_n3A_402 = arith.select %le3A_394, %gather3A_392, %select_n3A_401 : vector<16xi1>, vector<16xi32>
    %swap3A_403 = arith.constant 96 : index
    %swap3A_404 = tpu.vector_load %arg9[%swap3A_403] {strides = array<i32>} : memref<512xi32, #tpu.memory_space<vmem>>, vector<16xi32>,
    tpu.vector_store %arg9[%swap3A_403], %select_n3A_402 {strides = array<i32>} : memref<512xi32, #tpu.memory_space<vmem>>, vector<16xi32>,
    %le3A_405 = vector.broadcast %add3A_135 : i32 to vector<16xi32>
    %le3A_406 = arith.cmpi sle, %add3A_378, %le3A_405 : vector<16xi32>
    %jit3A_407 = arith.constant 1 : i32
    %jit3A_408 = arith.constant 0 : i32
    %broadcast_in_dim3A_409 = vector.broadcast %jit3A_407 : i32 to vector<16xi32>
    %broadcast_in_dim3A_410 = vector.broadcast %jit3A_408 : i32 to vector<16xi32>
    %select_n3A_411 = arith.select %le3A_406, %broadcast_in_dim3A_409, %broadcast_in_dim3A_410 : vector<16xi1>, vector<16xi32>
    %swap3A_412 = arith.constant 96 : index
    %swap3A_413 = tpu.vector_load %arg10[%swap3A_412] {strides = array<i32>} : memref<512xi32, #tpu.memory_space<vmem>>, vector<16xi32>,
    tpu.vector_store %arg10[%swap3A_412], %select_n3A_411 {strides = array<i32>} : memref<512xi32, #tpu.memory_space<vmem>>, vector<16xi32>,
    %add3A_414 = arith.constant 112 : i32
    %add3A_415 = vector.broadcast %add3A_414 : i32 to vector<16xi32>
    %add3A_416 = arith.addi %iota3A, %add3A_415 : vector<16xi32>
    %add3A_417 = arith.constant 112 : i32
    %add3A_418 = arith.addi %sub3A_143, %add3A_417 : i32
    %add3A_419 = vector.broadcast %add3A_418 : i32 to vector<16xi32>
    %add3A_420 = arith.addi %add3A_419, %iota3A : vector<16xi32>
    %sub3A_421 = arith.constant 1 : i32
    %sub3A_422 = vector.broadcast %sub3A_421 : i32 to vector<16xi32>
    %sub3A_423 = arith.subi %add3A_420, %sub3A_422 : vector<16xi32>
    %jit3A_424 = arith.constant 0 : i32
    %jit3A_425 = arith.constant 527 : i32
    %max3A_426 = vector.broadcast %jit3A_424 : i32 to vector<16xi32>
    %max3A_427 = arith.maxsi %max3A_426, %sub3A_423 : vector<16xi32>
    %min3A_428 = vector.broadcast %jit3A_425 : i32 to vector<16xi32>
    %min3A_429 = arith.minsi %min3A_428, %max3A_427 : vector<16xi32>
    %gather3A_430 = tpu.vector_load_idx %arg8[%min3A_429] : memref<528xi32, #tpu.memory_space<vmem>>[vector<16xi32>], vector<16xi32>,
    %le3A_431 = vector.broadcast %min3A_133 : i32 to vector<16xi32>
    %le3A_432 = arith.cmpi sle, %add3A_416, %le3A_431 : vector<16xi32>
    %eq3A_433 = vector.broadcast %add3A_135 : i32 to vector<16xi32>
    %eq3A_434 = arith.cmpi eq, %add3A_416, %eq3A_433 : vector<16xi32>
    %jit3A_435 = arith.constant 2 : i32
    %jit3A_436 = arith.constant 1 : i32
    %broadcast_in_dim3A_437 = vector.broadcast %jit3A_435 : i32 to vector<16xi32>
    %broadcast_in_dim3A_438 = vector.broadcast %jit3A_436 : i32 to vector<16xi32>
    %select_n3A_439 = arith.select %eq3A_434, %broadcast_in_dim3A_437, %broadcast_in_dim3A_438 : vector<16xi1>, vector<16xi32>
    %select_n3A_440 = arith.select %le3A_432, %gather3A_430, %select_n3A_439 : vector<16xi1>, vector<16xi32>
    %swap3A_441 = arith.constant 112 : index
    %swap3A_442 = tpu.vector_load %arg9[%swap3A_441] {strides = array<i32>} : memref<512xi32, #tpu.memory_space<vmem>>, vector<16xi32>,
    tpu.vector_store %arg9[%swap3A_441], %select_n3A_440 {strides = array<i32>} : memref<512xi32, #tpu.memory_space<vmem>>, vector<16xi32>,
    %le3A_443 = vector.broadcast %add3A_135 : i32 to vector<16xi32>
    %le3A_444 = arith.cmpi sle, %add3A_416, %le3A_443 : vector<16xi32>
    %jit3A_445 = arith.constant 1 : i32
    %jit3A_446 = arith.constant 0 : i32
    %broadcast_in_dim3A_447 = vector.broadcast %jit3A_445 : i32 to vector<16xi32>
    %broadcast_in_dim3A_448 = vector.broadcast %jit3A_446 : i32 to vector<16xi32>
    %select_n3A_449 = arith.select %le3A_444, %broadcast_in_dim3A_447, %broadcast_in_dim3A_448 : vector<16xi1>, vector<16xi32>
    %swap3A_450 = arith.constant 112 : index
    %swap3A_451 = tpu.vector_load %arg10[%swap3A_450] {strides = array<i32>} : memref<512xi32, #tpu.memory_space<vmem>>, vector<16xi32>,
    tpu.vector_store %arg10[%swap3A_450], %select_n3A_449 {strides = array<i32>} : memref<512xi32, #tpu.memory_space<vmem>>, vector<16xi32>,
    %add3A_452 = arith.constant 128 : i32
    %add3A_453 = vector.broadcast %add3A_452 : i32 to vector<16xi32>
    %add3A_454 = arith.addi %iota3A, %add3A_453 : vector<16xi32>
    %add3A_455 = arith.constant 128 : i32
    %add3A_456 = arith.addi %sub3A_143, %add3A_455 : i32
    %add3A_457 = vector.broadcast %add3A_456 : i32 to vector<16xi32>
    %add3A_458 = arith.addi %add3A_457, %iota3A : vector<16xi32>
    %sub3A_459 = arith.constant 1 : i32
    %sub3A_460 = vector.broadcast %sub3A_459 : i32 to vector<16xi32>
    %sub3A_461 = arith.subi %add3A_458, %sub3A_460 : vector<16xi32>
    %jit3A_462 = arith.constant 0 : i32
    %jit3A_463 = arith.constant 527 : i32
    %max3A_464 = vector.broadcast %jit3A_462 : i32 to vector<16xi32>
    %max3A_465 = arith.maxsi %max3A_464, %sub3A_461 : vector<16xi32>
    %min3A_466 = vector.broadcast %jit3A_463 : i32 to vector<16xi32>
    %min3A_467 = arith.minsi %min3A_466, %max3A_465 : vector<16xi32>
    %gather3A_468 = tpu.vector_load_idx %arg8[%min3A_467] : memref<528xi32, #tpu.memory_space<vmem>>[vector<16xi32>], vector<16xi32>,
    %le3A_469 = vector.broadcast %min3A_133 : i32 to vector<16xi32>
    %le3A_470 = arith.cmpi sle, %add3A_454, %le3A_469 : vector<16xi32>
    %eq3A_471 = vector.broadcast %add3A_135 : i32 to vector<16xi32>
    %eq3A_472 = arith.cmpi eq, %add3A_454, %eq3A_471 : vector<16xi32>
    %jit3A_473 = arith.constant 2 : i32
    %jit3A_474 = arith.constant 1 : i32
    %broadcast_in_dim3A_475 = vector.broadcast %jit3A_473 : i32 to vector<16xi32>
    %broadcast_in_dim3A_476 = vector.broadcast %jit3A_474 : i32 to vector<16xi32>
    %select_n3A_477 = arith.select %eq3A_472, %broadcast_in_dim3A_475, %broadcast_in_dim3A_476 : vector<16xi1>, vector<16xi32>
    %select_n3A_478 = arith.select %le3A_470, %gather3A_468, %select_n3A_477 : vector<16xi1>, vector<16xi32>
    %swap3A_479 = arith.constant 128 : index
    %swap3A_480 = tpu.vector_load %arg9[%swap3A_479] {strides = array<i32>} : memref<512xi32, #tpu.memory_space<vmem>>, vector<16xi32>,
    tpu.vector_store %arg9[%swap3A_479], %select_n3A_478 {strides = array<i32>} : memref<512xi32, #tpu.memory_space<vmem>>, vector<16xi32>,
    %le3A_481 = vector.broadcast %add3A_135 : i32 to vector<16xi32>
    %le3A_482 = arith.cmpi sle, %add3A_454, %le3A_481 : vector<16xi32>
    %jit3A_483 = arith.constant 1 : i32
    %jit3A_484 = arith.constant 0 : i32
    %broadcast_in_dim3A_485 = vector.broadcast %jit3A_483 : i32 to vector<16xi32>
    %broadcast_in_dim3A_486 = vector.broadcast %jit3A_484 : i32 to vector<16xi32>
    %select_n3A_487 = arith.select %le3A_482, %broadcast_in_dim3A_485, %broadcast_in_dim3A_486 : vector<16xi1>, vector<16xi32>
    %swap3A_488 = arith.constant 128 : index
    %swap3A_489 = tpu.vector_load %arg10[%swap3A_488] {strides = array<i32>} : memref<512xi32, #tpu.memory_space<vmem>>, vector<16xi32>,
    tpu.vector_store %arg10[%swap3A_488], %select_n3A_487 {strides = array<i32>} : memref<512xi32, #tpu.memory_space<vmem>>, vector<16xi32>,
    %add3A_490 = arith.constant 144 : i32
    %add3A_491 = vector.broadcast %add3A_490 : i32 to vector<16xi32>
    %add3A_492 = arith.addi %iota3A, %add3A_491 : vector<16xi32>
    %add3A_493 = arith.constant 144 : i32
    %add3A_494 = arith.addi %sub3A_143, %add3A_493 : i32
    %add3A_495 = vector.broadcast %add3A_494 : i32 to vector<16xi32>
    %add3A_496 = arith.addi %add3A_495, %iota3A : vector<16xi32>
    %sub3A_497 = arith.constant 1 : i32
    %sub3A_498 = vector.broadcast %sub3A_497 : i32 to vector<16xi32>
    %sub3A_499 = arith.subi %add3A_496, %sub3A_498 : vector<16xi32>
    %jit3A_500 = arith.constant 0 : i32
    %jit3A_501 = arith.constant 527 : i32
    %max3A_502 = vector.broadcast %jit3A_500 : i32 to vector<16xi32>
    %max3A_503 = arith.maxsi %max3A_502, %sub3A_499 : vector<16xi32>
    %min3A_504 = vector.broadcast %jit3A_501 : i32 to vector<16xi32>
    %min3A_505 = arith.minsi %min3A_504, %max3A_503 : vector<16xi32>
    %gather3A_506 = tpu.vector_load_idx %arg8[%min3A_505] : memref<528xi32, #tpu.memory_space<vmem>>[vector<16xi32>], vector<16xi32>,
    %le3A_507 = vector.broadcast %min3A_133 : i32 to vector<16xi32>
    %le3A_508 = arith.cmpi sle, %add3A_492, %le3A_507 : vector<16xi32>
    %eq3A_509 = vector.broadcast %add3A_135 : i32 to vector<16xi32>
    %eq3A_510 = arith.cmpi eq, %add3A_492, %eq3A_509 : vector<16xi32>
    %jit3A_511 = arith.constant 2 : i32
    %jit3A_512 = arith.constant 1 : i32
    %broadcast_in_dim3A_513 = vector.broadcast %jit3A_511 : i32 to vector<16xi32>
    %broadcast_in_dim3A_514 = vector.broadcast %jit3A_512 : i32 to vector<16xi32>
    %select_n3A_515 = arith.select %eq3A_510, %broadcast_in_dim3A_513, %broadcast_in_dim3A_514 : vector<16xi1>, vector<16xi32>
    %select_n3A_516 = arith.select %le3A_508, %gather3A_506, %select_n3A_515 : vector<16xi1>, vector<16xi32>
    %swap3A_517 = arith.constant 144 : index
    %swap3A_518 = tpu.vector_load %arg9[%swap3A_517] {strides = array<i32>} : memref<512xi32, #tpu.memory_space<vmem>>, vector<16xi32>,
    tpu.vector_store %arg9[%swap3A_517], %select_n3A_516 {strides = array<i32>} : memref<512xi32, #tpu.memory_space<vmem>>, vector<16xi32>,
    %le3A_519 = vector.broadcast %add3A_135 : i32 to vector<16xi32>
    %le3A_520 = arith.cmpi sle, %add3A_492, %le3A_519 : vector<16xi32>
    %jit3A_521 = arith.constant 1 : i32
    %jit3A_522 = arith.constant 0 : i32
    %broadcast_in_dim3A_523 = vector.broadcast %jit3A_521 : i32 to vector<16xi32>
    %broadcast_in_dim3A_524 = vector.broadcast %jit3A_522 : i32 to vector<16xi32>
    %select_n3A_525 = arith.select %le3A_520, %broadcast_in_dim3A_523, %broadcast_in_dim3A_524 : vector<16xi1>, vector<16xi32>
    %swap3A_526 = arith.constant 144 : index
    %swap3A_527 = tpu.vector_load %arg10[%swap3A_526] {strides = array<i32>} : memref<512xi32, #tpu.memory_space<vmem>>, vector<16xi32>,
    tpu.vector_store %arg10[%swap3A_526], %select_n3A_525 {strides = array<i32>} : memref<512xi32, #tpu.memory_space<vmem>>, vector<16xi32>,
    %add3A_528 = arith.constant 160 : i32
    %add3A_529 = vector.broadcast %add3A_528 : i32 to vector<16xi32>
    %add3A_530 = arith.addi %iota3A, %add3A_529 : vector<16xi32>
    %add3A_531 = arith.constant 160 : i32
    %add3A_532 = arith.addi %sub3A_143, %add3A_531 : i32
    %add3A_533 = vector.broadcast %add3A_532 : i32 to vector<16xi32>
    %add3A_534 = arith.addi %add3A_533, %iota3A : vector<16xi32>
    %sub3A_535 = arith.constant 1 : i32
    %sub3A_536 = vector.broadcast %sub3A_535 : i32 to vector<16xi32>
    %sub3A_537 = arith.subi %add3A_534, %sub3A_536 : vector<16xi32>
    %jit3A_538 = arith.constant 0 : i32
    %jit3A_539 = arith.constant 527 : i32
    %max3A_540 = vector.broadcast %jit3A_538 : i32 to vector<16xi32>
    %max3A_541 = arith.maxsi %max3A_540, %sub3A_537 : vector<16xi32>
    %min3A_542 = vector.broadcast %jit3A_539 : i32 to vector<16xi32>
    %min3A_543 = arith.minsi %min3A_542, %max3A_541 : vector<16xi32>
    %gather3A_544 = tpu.vector_load_idx %arg8[%min3A_543] : memref<528xi32, #tpu.memory_space<vmem>>[vector<16xi32>], vector<16xi32>,
    %le3A_545 = vector.broadcast %min3A_133 : i32 to vector<16xi32>
    %le3A_546 = arith.cmpi sle, %add3A_530, %le3A_545 : vector<16xi32>
    %eq3A_547 = vector.broadcast %add3A_135 : i32 to vector<16xi32>
    %eq3A_548 = arith.cmpi eq, %add3A_530, %eq3A_547 : vector<16xi32>
    %jit3A_549 = arith.constant 2 : i32
    %jit3A_550 = arith.constant 1 : i32
    %broadcast_in_dim3A_551 = vector.broadcast %jit3A_549 : i32 to vector<16xi32>
    %broadcast_in_dim3A_552 = vector.broadcast %jit3A_550 : i32 to vector<16xi32>
    %select_n3A_553 = arith.select %eq3A_548, %broadcast_in_dim3A_551, %broadcast_in_dim3A_552 : vector<16xi1>, vector<16xi32>
    %select_n3A_554 = arith.select %le3A_546, %gather3A_544, %select_n3A_553 : vector<16xi1>, vector<16xi32>
    %swap3A_555 = arith.constant 160 : index
    %swap3A_556 = tpu.vector_load %arg9[%swap3A_555] {strides = array<i32>} : memref<512xi32, #tpu.memory_space<vmem>>, vector<16xi32>,
    tpu.vector_store %arg9[%swap3A_555], %select_n3A_554 {strides = array<i32>} : memref<512xi32, #tpu.memory_space<vmem>>, vector<16xi32>,
    %le3A_557 = vector.broadcast %add3A_135 : i32 to vector<16xi32>
    %le3A_558 = arith.cmpi sle, %add3A_530, %le3A_557 : vector<16xi32>
    %jit3A_559 = arith.constant 1 : i32
    %jit3A_560 = arith.constant 0 : i32
    %broadcast_in_dim3A_561 = vector.broadcast %jit3A_559 : i32 to vector<16xi32>
    %broadcast_in_dim3A_562 = vector.broadcast %jit3A_560 : i32 to vector<16xi32>
    %select_n3A_563 = arith.select %le3A_558, %broadcast_in_dim3A_561, %broadcast_in_dim3A_562 : vector<16xi1>, vector<16xi32>
    %swap3A_564 = arith.constant 160 : index
    %swap3A_565 = tpu.vector_load %arg10[%swap3A_564] {strides = array<i32>} : memref<512xi32, #tpu.memory_space<vmem>>, vector<16xi32>,
    tpu.vector_store %arg10[%swap3A_564], %select_n3A_563 {strides = array<i32>} : memref<512xi32, #tpu.memory_space<vmem>>, vector<16xi32>,
    %add3A_566 = arith.constant 176 : i32
    %add3A_567 = vector.broadcast %add3A_566 : i32 to vector<16xi32>
    %add3A_568 = arith.addi %iota3A, %add3A_567 : vector<16xi32>
    %add3A_569 = arith.constant 176 : i32
    %add3A_570 = arith.addi %sub3A_143, %add3A_569 : i32
    %add3A_571 = vector.broadcast %add3A_570 : i32 to vector<16xi32>
    %add3A_572 = arith.addi %add3A_571, %iota3A : vector<16xi32>
    %sub3A_573 = arith.constant 1 : i32
    %sub3A_574 = vector.broadcast %sub3A_573 : i32 to vector<16xi32>
    %sub3A_575 = arith.subi %add3A_572, %sub3A_574 : vector<16xi32>
    %jit3A_576 = arith.constant 0 : i32
    %jit3A_577 = arith.constant 527 : i32
    %max3A_578 = vector.broadcast %jit3A_576 : i32 to vector<16xi32>
    %max3A_579 = arith.maxsi %max3A_578, %sub3A_575 : vector<16xi32>
    %min3A_580 = vector.broadcast %jit3A_577 : i32 to vector<16xi32>
    %min3A_581 = arith.minsi %min3A_580, %max3A_579 : vector<16xi32>
    %gather3A_582 = tpu.vector_load_idx %arg8[%min3A_581] : memref<528xi32, #tpu.memory_space<vmem>>[vector<16xi32>], vector<16xi32>,
    %le3A_583 = vector.broadcast %min3A_133 : i32 to vector<16xi32>
    %le3A_584 = arith.cmpi sle, %add3A_568, %le3A_583 : vector<16xi32>
    %eq3A_585 = vector.broadcast %add3A_135 : i32 to vector<16xi32>
    %eq3A_586 = arith.cmpi eq, %add3A_568, %eq3A_585 : vector<16xi32>
    %jit3A_587 = arith.constant 2 : i32
    %jit3A_588 = arith.constant 1 : i32
    %broadcast_in_dim3A_589 = vector.broadcast %jit3A_587 : i32 to vector<16xi32>
    %broadcast_in_dim3A_590 = vector.broadcast %jit3A_588 : i32 to vector<16xi32>
    %select_n3A_591 = arith.select %eq3A_586, %broadcast_in_dim3A_589, %broadcast_in_dim3A_590 : vector<16xi1>, vector<16xi32>
    %select_n3A_592 = arith.select %le3A_584, %gather3A_582, %select_n3A_591 : vector<16xi1>, vector<16xi32>
    %swap3A_593 = arith.constant 176 : index
    %swap3A_594 = tpu.vector_load %arg9[%swap3A_593] {strides = array<i32>} : memref<512xi32, #tpu.memory_space<vmem>>, vector<16xi32>,
    tpu.vector_store %arg9[%swap3A_593], %select_n3A_592 {strides = array<i32>} : memref<512xi32, #tpu.memory_space<vmem>>, vector<16xi32>,
    %le3A_595 = vector.broadcast %add3A_135 : i32 to vector<16xi32>
    %le3A_596 = arith.cmpi sle, %add3A_568, %le3A_595 : vector<16xi32>
    %jit3A_597 = arith.constant 1 : i32
    %jit3A_598 = arith.constant 0 : i32
    %broadcast_in_dim3A_599 = vector.broadcast %jit3A_597 : i32 to vector<16xi32>
    %broadcast_in_dim3A_600 = vector.broadcast %jit3A_598 : i32 to vector<16xi32>
    %select_n3A_601 = arith.select %le3A_596, %broadcast_in_dim3A_599, %broadcast_in_dim3A_600 : vector<16xi1>, vector<16xi32>
    %swap3A_602 = arith.constant 176 : index
    %swap3A_603 = tpu.vector_load %arg10[%swap3A_602] {strides = array<i32>} : memref<512xi32, #tpu.memory_space<vmem>>, vector<16xi32>,
    tpu.vector_store %arg10[%swap3A_602], %select_n3A_601 {strides = array<i32>} : memref<512xi32, #tpu.memory_space<vmem>>, vector<16xi32>,
    %add3A_604 = arith.constant 192 : i32
    %add3A_605 = vector.broadcast %add3A_604 : i32 to vector<16xi32>
    %add3A_606 = arith.addi %iota3A, %add3A_605 : vector<16xi32>
    %add3A_607 = arith.constant 192 : i32
    %add3A_608 = arith.addi %sub3A_143, %add3A_607 : i32
    %add3A_609 = vector.broadcast %add3A_608 : i32 to vector<16xi32>
    %add3A_610 = arith.addi %add3A_609, %iota3A : vector<16xi32>
    %sub3A_611 = arith.constant 1 : i32
    %sub3A_612 = vector.broadcast %sub3A_611 : i32 to vector<16xi32>
    %sub3A_613 = arith.subi %add3A_610, %sub3A_612 : vector<16xi32>
    %jit3A_614 = arith.constant 0 : i32
    %jit3A_615 = arith.constant 527 : i32
    %max3A_616 = vector.broadcast %jit3A_614 : i32 to vector<16xi32>
    %max3A_617 = arith.maxsi %max3A_616, %sub3A_613 : vector<16xi32>
    %min3A_618 = vector.broadcast %jit3A_615 : i32 to vector<16xi32>
    %min3A_619 = arith.minsi %min3A_618, %max3A_617 : vector<16xi32>
    %gather3A_620 = tpu.vector_load_idx %arg8[%min3A_619] : memref<528xi32, #tpu.memory_space<vmem>>[vector<16xi32>], vector<16xi32>,
    %le3A_621 = vector.broadcast %min3A_133 : i32 to vector<16xi32>
    %le3A_622 = arith.cmpi sle, %add3A_606, %le3A_621 : vector<16xi32>
    %eq3A_623 = vector.broadcast %add3A_135 : i32 to vector<16xi32>
    %eq3A_624 = arith.cmpi eq, %add3A_606, %eq3A_623 : vector<16xi32>
    %jit3A_625 = arith.constant 2 : i32
    %jit3A_626 = arith.constant 1 : i32
    %broadcast_in_dim3A_627 = vector.broadcast %jit3A_625 : i32 to vector<16xi32>
    %broadcast_in_dim3A_628 = vector.broadcast %jit3A_626 : i32 to vector<16xi32>
    %select_n3A_629 = arith.select %eq3A_624, %broadcast_in_dim3A_627, %broadcast_in_dim3A_628 : vector<16xi1>, vector<16xi32>
    %select_n3A_630 = arith.select %le3A_622, %gather3A_620, %select_n3A_629 : vector<16xi1>, vector<16xi32>
    %swap3A_631 = arith.constant 192 : index
    %swap3A_632 = tpu.vector_load %arg9[%swap3A_631] {strides = array<i32>} : memref<512xi32, #tpu.memory_space<vmem>>, vector<16xi32>,
    tpu.vector_store %arg9[%swap3A_631], %select_n3A_630 {strides = array<i32>} : memref<512xi32, #tpu.memory_space<vmem>>, vector<16xi32>,
    %le3A_633 = vector.broadcast %add3A_135 : i32 to vector<16xi32>
    %le3A_634 = arith.cmpi sle, %add3A_606, %le3A_633 : vector<16xi32>
    %jit3A_635 = arith.constant 1 : i32
    %jit3A_636 = arith.constant 0 : i32
    %broadcast_in_dim3A_637 = vector.broadcast %jit3A_635 : i32 to vector<16xi32>
    %broadcast_in_dim3A_638 = vector.broadcast %jit3A_636 : i32 to vector<16xi32>
    %select_n3A_639 = arith.select %le3A_634, %broadcast_in_dim3A_637, %broadcast_in_dim3A_638 : vector<16xi1>, vector<16xi32>
    %swap3A_640 = arith.constant 192 : index
    %swap3A_641 = tpu.vector_load %arg10[%swap3A_640] {strides = array<i32>} : memref<512xi32, #tpu.memory_space<vmem>>, vector<16xi32>,
    tpu.vector_store %arg10[%swap3A_640], %select_n3A_639 {strides = array<i32>} : memref<512xi32, #tpu.memory_space<vmem>>, vector<16xi32>,
    %add3A_642 = arith.constant 208 : i32
    %add3A_643 = vector.broadcast %add3A_642 : i32 to vector<16xi32>
    %add3A_644 = arith.addi %iota3A, %add3A_643 : vector<16xi32>
    %add3A_645 = arith.constant 208 : i32
    %add3A_646 = arith.addi %sub3A_143, %add3A_645 : i32
    %add3A_647 = vector.broadcast %add3A_646 : i32 to vector<16xi32>
    %add3A_648 = arith.addi %add3A_647, %iota3A : vector<16xi32>
    %sub3A_649 = arith.constant 1 : i32
    %sub3A_650 = vector.broadcast %sub3A_649 : i32 to vector<16xi32>
    %sub3A_651 = arith.subi %add3A_648, %sub3A_650 : vector<16xi32>
    %jit3A_652 = arith.constant 0 : i32
    %jit3A_653 = arith.constant 527 : i32
    %max3A_654 = vector.broadcast %jit3A_652 : i32 to vector<16xi32>
    %max3A_655 = arith.maxsi %max3A_654, %sub3A_651 : vector<16xi32>
    %min3A_656 = vector.broadcast %jit3A_653 : i32 to vector<16xi32>
    %min3A_657 = arith.minsi %min3A_656, %max3A_655 : vector<16xi32>
    %gather3A_658 = tpu.vector_load_idx %arg8[%min3A_657] : memref<528xi32, #tpu.memory_space<vmem>>[vector<16xi32>], vector<16xi32>,
    %le3A_659 = vector.broadcast %min3A_133 : i32 to vector<16xi32>
    %le3A_660 = arith.cmpi sle, %add3A_644, %le3A_659 : vector<16xi32>
    %eq3A_661 = vector.broadcast %add3A_135 : i32 to vector<16xi32>
    %eq3A_662 = arith.cmpi eq, %add3A_644, %eq3A_661 : vector<16xi32>
    %jit3A_663 = arith.constant 2 : i32
    %jit3A_664 = arith.constant 1 : i32
    %broadcast_in_dim3A_665 = vector.broadcast %jit3A_663 : i32 to vector<16xi32>
    %broadcast_in_dim3A_666 = vector.broadcast %jit3A_664 : i32 to vector<16xi32>
    %select_n3A_667 = arith.select %eq3A_662, %broadcast_in_dim3A_665, %broadcast_in_dim3A_666 : vector<16xi1>, vector<16xi32>
    %select_n3A_668 = arith.select %le3A_660, %gather3A_658, %select_n3A_667 : vector<16xi1>, vector<16xi32>
    %swap3A_669 = arith.constant 208 : index
    %swap3A_670 = tpu.vector_load %arg9[%swap3A_669] {strides = array<i32>} : memref<512xi32, #tpu.memory_space<vmem>>, vector<16xi32>,
    tpu.vector_store %arg9[%swap3A_669], %select_n3A_668 {strides = array<i32>} : memref<512xi32, #tpu.memory_space<vmem>>, vector<16xi32>,
    %le3A_671 = vector.broadcast %add3A_135 : i32 to vector<16xi32>
    %le3A_672 = arith.cmpi sle, %add3A_644, %le3A_671 : vector<16xi32>
    %jit3A_673 = arith.constant 1 : i32
    %jit3A_674 = arith.constant 0 : i32
    %broadcast_in_dim3A_675 = vector.broadcast %jit3A_673 : i32 to vector<16xi32>
    %broadcast_in_dim3A_676 = vector.broadcast %jit3A_674 : i32 to vector<16xi32>
    %select_n3A_677 = arith.select %le3A_672, %broadcast_in_dim3A_675, %broadcast_in_dim3A_676 : vector<16xi1>, vector<16xi32>
    %swap3A_678 = arith.constant 208 : index
    %swap3A_679 = tpu.vector_load %arg10[%swap3A_678] {strides = array<i32>} : memref<512xi32, #tpu.memory_space<vmem>>, vector<16xi32>,
    tpu.vector_store %arg10[%swap3A_678], %select_n3A_677 {strides = array<i32>} : memref<512xi32, #tpu.memory_space<vmem>>, vector<16xi32>,
    %add3A_680 = arith.constant 224 : i32
    %add3A_681 = vector.broadcast %add3A_680 : i32 to vector<16xi32>
    %add3A_682 = arith.addi %iota3A, %add3A_681 : vector<16xi32>
    %add3A_683 = arith.constant 224 : i32
    %add3A_684 = arith.addi %sub3A_143, %add3A_683 : i32
    %add3A_685 = vector.broadcast %add3A_684 : i32 to vector<16xi32>
    %add3A_686 = arith.addi %add3A_685, %iota3A : vector<16xi32>
    %sub3A_687 = arith.constant 1 : i32
    %sub3A_688 = vector.broadcast %sub3A_687 : i32 to vector<16xi32>
    %sub3A_689 = arith.subi %add3A_686, %sub3A_688 : vector<16xi32>
    %jit3A_690 = arith.constant 0 : i32
    %jit3A_691 = arith.constant 527 : i32
    %max3A_692 = vector.broadcast %jit3A_690 : i32 to vector<16xi32>
    %max3A_693 = arith.maxsi %max3A_692, %sub3A_689 : vector<16xi32>
    %min3A_694 = vector.broadcast %jit3A_691 : i32 to vector<16xi32>
    %min3A_695 = arith.minsi %min3A_694, %max3A_693 : vector<16xi32>
    %gather3A_696 = tpu.vector_load_idx %arg8[%min3A_695] : memref<528xi32, #tpu.memory_space<vmem>>[vector<16xi32>], vector<16xi32>,
    %le3A_697 = vector.broadcast %min3A_133 : i32 to vector<16xi32>
    %le3A_698 = arith.cmpi sle, %add3A_682, %le3A_697 : vector<16xi32>
    %eq3A_699 = vector.broadcast %add3A_135 : i32 to vector<16xi32>
    %eq3A_700 = arith.cmpi eq, %add3A_682, %eq3A_699 : vector<16xi32>
    %jit3A_701 = arith.constant 2 : i32
    %jit3A_702 = arith.constant 1 : i32
    %broadcast_in_dim3A_703 = vector.broadcast %jit3A_701 : i32 to vector<16xi32>
    %broadcast_in_dim3A_704 = vector.broadcast %jit3A_702 : i32 to vector<16xi32>
    %select_n3A_705 = arith.select %eq3A_700, %broadcast_in_dim3A_703, %broadcast_in_dim3A_704 : vector<16xi1>, vector<16xi32>
    %select_n3A_706 = arith.select %le3A_698, %gather3A_696, %select_n3A_705 : vector<16xi1>, vector<16xi32>
    %swap3A_707 = arith.constant 224 : index
    %swap3A_708 = tpu.vector_load %arg9[%swap3A_707] {strides = array<i32>} : memref<512xi32, #tpu.memory_space<vmem>>, vector<16xi32>,
    tpu.vector_store %arg9[%swap3A_707], %select_n3A_706 {strides = array<i32>} : memref<512xi32, #tpu.memory_space<vmem>>, vector<16xi32>,
    %le3A_709 = vector.broadcast %add3A_135 : i32 to vector<16xi32>
    %le3A_710 = arith.cmpi sle, %add3A_682, %le3A_709 : vector<16xi32>
    %jit3A_711 = arith.constant 1 : i32
    %jit3A_712 = arith.constant 0 : i32
    %broadcast_in_dim3A_713 = vector.broadcast %jit3A_711 : i32 to vector<16xi32>
    %broadcast_in_dim3A_714 = vector.broadcast %jit3A_712 : i32 to vector<16xi32>
    %select_n3A_715 = arith.select %le3A_710, %broadcast_in_dim3A_713, %broadcast_in_dim3A_714 : vector<16xi1>, vector<16xi32>
    %swap3A_716 = arith.constant 224 : index
    %swap3A_717 = tpu.vector_load %arg10[%swap3A_716] {strides = array<i32>} : memref<512xi32, #tpu.memory_space<vmem>>, vector<16xi32>,
    tpu.vector_store %arg10[%swap3A_716], %select_n3A_715 {strides = array<i32>} : memref<512xi32, #tpu.memory_space<vmem>>, vector<16xi32>,
    %add3A_718 = arith.constant 240 : i32
    %add3A_719 = vector.broadcast %add3A_718 : i32 to vector<16xi32>
    %add3A_720 = arith.addi %iota3A, %add3A_719 : vector<16xi32>
    %add3A_721 = arith.constant 240 : i32
    %add3A_722 = arith.addi %sub3A_143, %add3A_721 : i32
    %add3A_723 = vector.broadcast %add3A_722 : i32 to vector<16xi32>
    %add3A_724 = arith.addi %add3A_723, %iota3A : vector<16xi32>
    %sub3A_725 = arith.constant 1 : i32
    %sub3A_726 = vector.broadcast %sub3A_725 : i32 to vector<16xi32>
    %sub3A_727 = arith.subi %add3A_724, %sub3A_726 : vector<16xi32>
    %jit3A_728 = arith.constant 0 : i32
    %jit3A_729 = arith.constant 527 : i32
    %max3A_730 = vector.broadcast %jit3A_728 : i32 to vector<16xi32>
    %max3A_731 = arith.maxsi %max3A_730, %sub3A_727 : vector<16xi32>
    %min3A_732 = vector.broadcast %jit3A_729 : i32 to vector<16xi32>
    %min3A_733 = arith.minsi %min3A_732, %max3A_731 : vector<16xi32>
    %gather3A_734 = tpu.vector_load_idx %arg8[%min3A_733] : memref<528xi32, #tpu.memory_space<vmem>>[vector<16xi32>], vector<16xi32>,
    %le3A_735 = vector.broadcast %min3A_133 : i32 to vector<16xi32>
    %le3A_736 = arith.cmpi sle, %add3A_720, %le3A_735 : vector<16xi32>
    %eq3A_737 = vector.broadcast %add3A_135 : i32 to vector<16xi32>
    %eq3A_738 = arith.cmpi eq, %add3A_720, %eq3A_737 : vector<16xi32>
    %jit3A_739 = arith.constant 2 : i32
    %jit3A_740 = arith.constant 1 : i32
    %broadcast_in_dim3A_741 = vector.broadcast %jit3A_739 : i32 to vector<16xi32>
    %broadcast_in_dim3A_742 = vector.broadcast %jit3A_740 : i32 to vector<16xi32>
    %select_n3A_743 = arith.select %eq3A_738, %broadcast_in_dim3A_741, %broadcast_in_dim3A_742 : vector<16xi1>, vector<16xi32>
    %select_n3A_744 = arith.select %le3A_736, %gather3A_734, %select_n3A_743 : vector<16xi1>, vector<16xi32>
    %swap3A_745 = arith.constant 240 : index
    %swap3A_746 = tpu.vector_load %arg9[%swap3A_745] {strides = array<i32>} : memref<512xi32, #tpu.memory_space<vmem>>, vector<16xi32>,
    tpu.vector_store %arg9[%swap3A_745], %select_n3A_744 {strides = array<i32>} : memref<512xi32, #tpu.memory_space<vmem>>, vector<16xi32>,
    %le3A_747 = vector.broadcast %add3A_135 : i32 to vector<16xi32>
    %le3A_748 = arith.cmpi sle, %add3A_720, %le3A_747 : vector<16xi32>
    %jit3A_749 = arith.constant 1 : i32
    %jit3A_750 = arith.constant 0 : i32
    %broadcast_in_dim3A_751 = vector.broadcast %jit3A_749 : i32 to vector<16xi32>
    %broadcast_in_dim3A_752 = vector.broadcast %jit3A_750 : i32 to vector<16xi32>
    %select_n3A_753 = arith.select %le3A_748, %broadcast_in_dim3A_751, %broadcast_in_dim3A_752 : vector<16xi1>, vector<16xi32>
    %swap3A_754 = arith.constant 240 : index
    %swap3A_755 = tpu.vector_load %arg10[%swap3A_754] {strides = array<i32>} : memref<512xi32, #tpu.memory_space<vmem>>, vector<16xi32>,
    tpu.vector_store %arg10[%swap3A_754], %select_n3A_753 {strides = array<i32>} : memref<512xi32, #tpu.memory_space<vmem>>, vector<16xi32>,
    %add3A_756 = arith.constant 256 : i32
    %add3A_757 = vector.broadcast %add3A_756 : i32 to vector<16xi32>
    %add3A_758 = arith.addi %iota3A, %add3A_757 : vector<16xi32>
    %add3A_759 = arith.constant 256 : i32
    %add3A_760 = arith.addi %sub3A_143, %add3A_759 : i32
    %add3A_761 = vector.broadcast %add3A_760 : i32 to vector<16xi32>
    %add3A_762 = arith.addi %add3A_761, %iota3A : vector<16xi32>
    %sub3A_763 = arith.constant 1 : i32
    %sub3A_764 = vector.broadcast %sub3A_763 : i32 to vector<16xi32>
    %sub3A_765 = arith.subi %add3A_762, %sub3A_764 : vector<16xi32>
    %jit3A_766 = arith.constant 0 : i32
    %jit3A_767 = arith.constant 527 : i32
    %max3A_768 = vector.broadcast %jit3A_766 : i32 to vector<16xi32>
    %max3A_769 = arith.maxsi %max3A_768, %sub3A_765 : vector<16xi32>
    %min3A_770 = vector.broadcast %jit3A_767 : i32 to vector<16xi32>
    %min3A_771 = arith.minsi %min3A_770, %max3A_769 : vector<16xi32>
    %gather3A_772 = tpu.vector_load_idx %arg8[%min3A_771] : memref<528xi32, #tpu.memory_space<vmem>>[vector<16xi32>], vector<16xi32>,
    %le3A_773 = vector.broadcast %min3A_133 : i32 to vector<16xi32>
    %le3A_774 = arith.cmpi sle, %add3A_758, %le3A_773 : vector<16xi32>
    %eq3A_775 = vector.broadcast %add3A_135 : i32 to vector<16xi32>
    %eq3A_776 = arith.cmpi eq, %add3A_758, %eq3A_775 : vector<16xi32>
    %jit3A_777 = arith.constant 2 : i32
    %jit3A_778 = arith.constant 1 : i32
    %broadcast_in_dim3A_779 = vector.broadcast %jit3A_777 : i32 to vector<16xi32>
    %broadcast_in_dim3A_780 = vector.broadcast %jit3A_778 : i32 to vector<16xi32>
    %select_n3A_781 = arith.select %eq3A_776, %broadcast_in_dim3A_779, %broadcast_in_dim3A_780 : vector<16xi1>, vector<16xi32>
    %select_n3A_782 = arith.select %le3A_774, %gather3A_772, %select_n3A_781 : vector<16xi1>, vector<16xi32>
    %swap3A_783 = arith.constant 256 : index
    %swap3A_784 = tpu.vector_load %arg9[%swap3A_783] {strides = array<i32>} : memref<512xi32, #tpu.memory_space<vmem>>, vector<16xi32>,
    tpu.vector_store %arg9[%swap3A_783], %select_n3A_782 {strides = array<i32>} : memref<512xi32, #tpu.memory_space<vmem>>, vector<16xi32>,
    %le3A_785 = vector.broadcast %add3A_135 : i32 to vector<16xi32>
    %le3A_786 = arith.cmpi sle, %add3A_758, %le3A_785 : vector<16xi32>
    %jit3A_787 = arith.constant 1 : i32
    %jit3A_788 = arith.constant 0 : i32
    %broadcast_in_dim3A_789 = vector.broadcast %jit3A_787 : i32 to vector<16xi32>
    %broadcast_in_dim3A_790 = vector.broadcast %jit3A_788 : i32 to vector<16xi32>
    %select_n3A_791 = arith.select %le3A_786, %broadcast_in_dim3A_789, %broadcast_in_dim3A_790 : vector<16xi1>, vector<16xi32>
    %swap3A_792 = arith.constant 256 : index
    %swap3A_793 = tpu.vector_load %arg10[%swap3A_792] {strides = array<i32>} : memref<512xi32, #tpu.memory_space<vmem>>, vector<16xi32>,
    tpu.vector_store %arg10[%swap3A_792], %select_n3A_791 {strides = array<i32>} : memref<512xi32, #tpu.memory_space<vmem>>, vector<16xi32>,
    %add3A_794 = arith.constant 272 : i32
    %add3A_795 = vector.broadcast %add3A_794 : i32 to vector<16xi32>
    %add3A_796 = arith.addi %iota3A, %add3A_795 : vector<16xi32>
    %add3A_797 = arith.constant 272 : i32
    %add3A_798 = arith.addi %sub3A_143, %add3A_797 : i32
    %add3A_799 = vector.broadcast %add3A_798 : i32 to vector<16xi32>
    %add3A_800 = arith.addi %add3A_799, %iota3A : vector<16xi32>
    %sub3A_801 = arith.constant 1 : i32
    %sub3A_802 = vector.broadcast %sub3A_801 : i32 to vector<16xi32>
    %sub3A_803 = arith.subi %add3A_800, %sub3A_802 : vector<16xi32>
    %jit3A_804 = arith.constant 0 : i32
    %jit3A_805 = arith.constant 527 : i32
    %max3A_806 = vector.broadcast %jit3A_804 : i32 to vector<16xi32>
    %max3A_807 = arith.maxsi %max3A_806, %sub3A_803 : vector<16xi32>
    %min3A_808 = vector.broadcast %jit3A_805 : i32 to vector<16xi32>
    %min3A_809 = arith.minsi %min3A_808, %max3A_807 : vector<16xi32>
    %gather3A_810 = tpu.vector_load_idx %arg8[%min3A_809] : memref<528xi32, #tpu.memory_space<vmem>>[vector<16xi32>], vector<16xi32>,
    %le3A_811 = vector.broadcast %min3A_133 : i32 to vector<16xi32>
    %le3A_812 = arith.cmpi sle, %add3A_796, %le3A_811 : vector<16xi32>
    %eq3A_813 = vector.broadcast %add3A_135 : i32 to vector<16xi32>
    %eq3A_814 = arith.cmpi eq, %add3A_796, %eq3A_813 : vector<16xi32>
    %jit3A_815 = arith.constant 2 : i32
    %jit3A_816 = arith.constant 1 : i32
    %broadcast_in_dim3A_817 = vector.broadcast %jit3A_815 : i32 to vector<16xi32>
    %broadcast_in_dim3A_818 = vector.broadcast %jit3A_816 : i32 to vector<16xi32>
    %select_n3A_819 = arith.select %eq3A_814, %broadcast_in_dim3A_817, %broadcast_in_dim3A_818 : vector<16xi1>, vector<16xi32>
    %select_n3A_820 = arith.select %le3A_812, %gather3A_810, %select_n3A_819 : vector<16xi1>, vector<16xi32>
    %swap3A_821 = arith.constant 272 : index
    %swap3A_822 = tpu.vector_load %arg9[%swap3A_821] {strides = array<i32>} : memref<512xi32, #tpu.memory_space<vmem>>, vector<16xi32>,
    tpu.vector_store %arg9[%swap3A_821], %select_n3A_820 {strides = array<i32>} : memref<512xi32, #tpu.memory_space<vmem>>, vector<16xi32>,
    %le3A_823 = vector.broadcast %add3A_135 : i32 to vector<16xi32>
    %le3A_824 = arith.cmpi sle, %add3A_796, %le3A_823 : vector<16xi32>
    %jit3A_825 = arith.constant 1 : i32
    %jit3A_826 = arith.constant 0 : i32
    %broadcast_in_dim3A_827 = vector.broadcast %jit3A_825 : i32 to vector<16xi32>
    %broadcast_in_dim3A_828 = vector.broadcast %jit3A_826 : i32 to vector<16xi32>
    %select_n3A_829 = arith.select %le3A_824, %broadcast_in_dim3A_827, %broadcast_in_dim3A_828 : vector<16xi1>, vector<16xi32>
    %swap3A_830 = arith.constant 272 : index
    %swap3A_831 = tpu.vector_load %arg10[%swap3A_830] {strides = array<i32>} : memref<512xi32, #tpu.memory_space<vmem>>, vector<16xi32>,
    tpu.vector_store %arg10[%swap3A_830], %select_n3A_829 {strides = array<i32>} : memref<512xi32, #tpu.memory_space<vmem>>, vector<16xi32>,
    %add3A_832 = arith.constant 288 : i32
    %add3A_833 = vector.broadcast %add3A_832 : i32 to vector<16xi32>
    %add3A_834 = arith.addi %iota3A, %add3A_833 : vector<16xi32>
    %add3A_835 = arith.constant 288 : i32
    %add3A_836 = arith.addi %sub3A_143, %add3A_835 : i32
    %add3A_837 = vector.broadcast %add3A_836 : i32 to vector<16xi32>
    %add3A_838 = arith.addi %add3A_837, %iota3A : vector<16xi32>
    %sub3A_839 = arith.constant 1 : i32
    %sub3A_840 = vector.broadcast %sub3A_839 : i32 to vector<16xi32>
    %sub3A_841 = arith.subi %add3A_838, %sub3A_840 : vector<16xi32>
    %jit3A_842 = arith.constant 0 : i32
    %jit3A_843 = arith.constant 527 : i32
    %max3A_844 = vector.broadcast %jit3A_842 : i32 to vector<16xi32>
    %max3A_845 = arith.maxsi %max3A_844, %sub3A_841 : vector<16xi32>
    %min3A_846 = vector.broadcast %jit3A_843 : i32 to vector<16xi32>
    %min3A_847 = arith.minsi %min3A_846, %max3A_845 : vector<16xi32>
    %gather3A_848 = tpu.vector_load_idx %arg8[%min3A_847] : memref<528xi32, #tpu.memory_space<vmem>>[vector<16xi32>], vector<16xi32>,
    %le3A_849 = vector.broadcast %min3A_133 : i32 to vector<16xi32>
    %le3A_850 = arith.cmpi sle, %add3A_834, %le3A_849 : vector<16xi32>
    %eq3A_851 = vector.broadcast %add3A_135 : i32 to vector<16xi32>
    %eq3A_852 = arith.cmpi eq, %add3A_834, %eq3A_851 : vector<16xi32>
    %jit3A_853 = arith.constant 2 : i32
    %jit3A_854 = arith.constant 1 : i32
    %broadcast_in_dim3A_855 = vector.broadcast %jit3A_853 : i32 to vector<16xi32>
    %broadcast_in_dim3A_856 = vector.broadcast %jit3A_854 : i32 to vector<16xi32>
    %select_n3A_857 = arith.select %eq3A_852, %broadcast_in_dim3A_855, %broadcast_in_dim3A_856 : vector<16xi1>, vector<16xi32>
    %select_n3A_858 = arith.select %le3A_850, %gather3A_848, %select_n3A_857 : vector<16xi1>, vector<16xi32>
    %swap3A_859 = arith.constant 288 : index
    %swap3A_860 = tpu.vector_load %arg9[%swap3A_859] {strides = array<i32>} : memref<512xi32, #tpu.memory_space<vmem>>, vector<16xi32>,
    tpu.vector_store %arg9[%swap3A_859], %select_n3A_858 {strides = array<i32>} : memref<512xi32, #tpu.memory_space<vmem>>, vector<16xi32>,
    %le3A_861 = vector.broadcast %add3A_135 : i32 to vector<16xi32>
    %le3A_862 = arith.cmpi sle, %add3A_834, %le3A_861 : vector<16xi32>
    %jit3A_863 = arith.constant 1 : i32
    %jit3A_864 = arith.constant 0 : i32
    %broadcast_in_dim3A_865 = vector.broadcast %jit3A_863 : i32 to vector<16xi32>
    %broadcast_in_dim3A_866 = vector.broadcast %jit3A_864 : i32 to vector<16xi32>
    %select_n3A_867 = arith.select %le3A_862, %broadcast_in_dim3A_865, %broadcast_in_dim3A_866 : vector<16xi1>, vector<16xi32>
    %swap3A_868 = arith.constant 288 : index
    %swap3A_869 = tpu.vector_load %arg10[%swap3A_868] {strides = array<i32>} : memref<512xi32, #tpu.memory_space<vmem>>, vector<16xi32>,
    tpu.vector_store %arg10[%swap3A_868], %select_n3A_867 {strides = array<i32>} : memref<512xi32, #tpu.memory_space<vmem>>, vector<16xi32>,
    %add3A_870 = arith.constant 304 : i32
    %add3A_871 = vector.broadcast %add3A_870 : i32 to vector<16xi32>
    %add3A_872 = arith.addi %iota3A, %add3A_871 : vector<16xi32>
    %add3A_873 = arith.constant 304 : i32
    %add3A_874 = arith.addi %sub3A_143, %add3A_873 : i32
    %add3A_875 = vector.broadcast %add3A_874 : i32 to vector<16xi32>
    %add3A_876 = arith.addi %add3A_875, %iota3A : vector<16xi32>
    %sub3A_877 = arith.constant 1 : i32
    %sub3A_878 = vector.broadcast %sub3A_877 : i32 to vector<16xi32>
    %sub3A_879 = arith.subi %add3A_876, %sub3A_878 : vector<16xi32>
    %jit3A_880 = arith.constant 0 : i32
    %jit3A_881 = arith.constant 527 : i32
    %max3A_882 = vector.broadcast %jit3A_880 : i32 to vector<16xi32>
    %max3A_883 = arith.maxsi %max3A_882, %sub3A_879 : vector<16xi32>
    %min3A_884 = vector.broadcast %jit3A_881 : i32 to vector<16xi32>
    %min3A_885 = arith.minsi %min3A_884, %max3A_883 : vector<16xi32>
    %gather3A_886 = tpu.vector_load_idx %arg8[%min3A_885] : memref<528xi32, #tpu.memory_space<vmem>>[vector<16xi32>], vector<16xi32>,
    %le3A_887 = vector.broadcast %min3A_133 : i32 to vector<16xi32>
    %le3A_888 = arith.cmpi sle, %add3A_872, %le3A_887 : vector<16xi32>
    %eq3A_889 = vector.broadcast %add3A_135 : i32 to vector<16xi32>
    %eq3A_890 = arith.cmpi eq, %add3A_872, %eq3A_889 : vector<16xi32>
    %jit3A_891 = arith.constant 2 : i32
    %jit3A_892 = arith.constant 1 : i32
    %broadcast_in_dim3A_893 = vector.broadcast %jit3A_891 : i32 to vector<16xi32>
    %broadcast_in_dim3A_894 = vector.broadcast %jit3A_892 : i32 to vector<16xi32>
    %select_n3A_895 = arith.select %eq3A_890, %broadcast_in_dim3A_893, %broadcast_in_dim3A_894 : vector<16xi1>, vector<16xi32>
    %select_n3A_896 = arith.select %le3A_888, %gather3A_886, %select_n3A_895 : vector<16xi1>, vector<16xi32>
    %swap3A_897 = arith.constant 304 : index
    %swap3A_898 = tpu.vector_load %arg9[%swap3A_897] {strides = array<i32>} : memref<512xi32, #tpu.memory_space<vmem>>, vector<16xi32>,
    tpu.vector_store %arg9[%swap3A_897], %select_n3A_896 {strides = array<i32>} : memref<512xi32, #tpu.memory_space<vmem>>, vector<16xi32>,
    %le3A_899 = vector.broadcast %add3A_135 : i32 to vector<16xi32>
    %le3A_900 = arith.cmpi sle, %add3A_872, %le3A_899 : vector<16xi32>
    %jit3A_901 = arith.constant 1 : i32
    %jit3A_902 = arith.constant 0 : i32
    %broadcast_in_dim3A_903 = vector.broadcast %jit3A_901 : i32 to vector<16xi32>
    %broadcast_in_dim3A_904 = vector.broadcast %jit3A_902 : i32 to vector<16xi32>
    %select_n3A_905 = arith.select %le3A_900, %broadcast_in_dim3A_903, %broadcast_in_dim3A_904 : vector<16xi1>, vector<16xi32>
    %swap3A_906 = arith.constant 304 : index
    %swap3A_907 = tpu.vector_load %arg10[%swap3A_906] {strides = array<i32>} : memref<512xi32, #tpu.memory_space<vmem>>, vector<16xi32>,
    tpu.vector_store %arg10[%swap3A_906], %select_n3A_905 {strides = array<i32>} : memref<512xi32, #tpu.memory_space<vmem>>, vector<16xi32>,
    %add3A_908 = arith.constant 320 : i32
    %add3A_909 = vector.broadcast %add3A_908 : i32 to vector<16xi32>
    %add3A_910 = arith.addi %iota3A, %add3A_909 : vector<16xi32>
    %add3A_911 = arith.constant 320 : i32
    %add3A_912 = arith.addi %sub3A_143, %add3A_911 : i32
    %add3A_913 = vector.broadcast %add3A_912 : i32 to vector<16xi32>
    %add3A_914 = arith.addi %add3A_913, %iota3A : vector<16xi32>
    %sub3A_915 = arith.constant 1 : i32
    %sub3A_916 = vector.broadcast %sub3A_915 : i32 to vector<16xi32>
    %sub3A_917 = arith.subi %add3A_914, %sub3A_916 : vector<16xi32>
    %jit3A_918 = arith.constant 0 : i32
    %jit3A_919 = arith.constant 527 : i32
    %max3A_920 = vector.broadcast %jit3A_918 : i32 to vector<16xi32>
    %max3A_921 = arith.maxsi %max3A_920, %sub3A_917 : vector<16xi32>
    %min3A_922 = vector.broadcast %jit3A_919 : i32 to vector<16xi32>
    %min3A_923 = arith.minsi %min3A_922, %max3A_921 : vector<16xi32>
    %gather3A_924 = tpu.vector_load_idx %arg8[%min3A_923] : memref<528xi32, #tpu.memory_space<vmem>>[vector<16xi32>], vector<16xi32>,
    %le3A_925 = vector.broadcast %min3A_133 : i32 to vector<16xi32>
    %le3A_926 = arith.cmpi sle, %add3A_910, %le3A_925 : vector<16xi32>
    %eq3A_927 = vector.broadcast %add3A_135 : i32 to vector<16xi32>
    %eq3A_928 = arith.cmpi eq, %add3A_910, %eq3A_927 : vector<16xi32>
    %jit3A_929 = arith.constant 2 : i32
    %jit3A_930 = arith.constant 1 : i32
    %broadcast_in_dim3A_931 = vector.broadcast %jit3A_929 : i32 to vector<16xi32>
    %broadcast_in_dim3A_932 = vector.broadcast %jit3A_930 : i32 to vector<16xi32>
    %select_n3A_933 = arith.select %eq3A_928, %broadcast_in_dim3A_931, %broadcast_in_dim3A_932 : vector<16xi1>, vector<16xi32>
    %select_n3A_934 = arith.select %le3A_926, %gather3A_924, %select_n3A_933 : vector<16xi1>, vector<16xi32>
    %swap3A_935 = arith.constant 320 : index
    %swap3A_936 = tpu.vector_load %arg9[%swap3A_935] {strides = array<i32>} : memref<512xi32, #tpu.memory_space<vmem>>, vector<16xi32>,
    tpu.vector_store %arg9[%swap3A_935], %select_n3A_934 {strides = array<i32>} : memref<512xi32, #tpu.memory_space<vmem>>, vector<16xi32>,
    %le3A_937 = vector.broadcast %add3A_135 : i32 to vector<16xi32>
    %le3A_938 = arith.cmpi sle, %add3A_910, %le3A_937 : vector<16xi32>
    %jit3A_939 = arith.constant 1 : i32
    %jit3A_940 = arith.constant 0 : i32
    %broadcast_in_dim3A_941 = vector.broadcast %jit3A_939 : i32 to vector<16xi32>
    %broadcast_in_dim3A_942 = vector.broadcast %jit3A_940 : i32 to vector<16xi32>
    %select_n3A_943 = arith.select %le3A_938, %broadcast_in_dim3A_941, %broadcast_in_dim3A_942 : vector<16xi1>, vector<16xi32>
    %swap3A_944 = arith.constant 320 : index
    %swap3A_945 = tpu.vector_load %arg10[%swap3A_944] {strides = array<i32>} : memref<512xi32, #tpu.memory_space<vmem>>, vector<16xi32>,
    tpu.vector_store %arg10[%swap3A_944], %select_n3A_943 {strides = array<i32>} : memref<512xi32, #tpu.memory_space<vmem>>, vector<16xi32>,
    %add3A_946 = arith.constant 336 : i32
    %add3A_947 = vector.broadcast %add3A_946 : i32 to vector<16xi32>
    %add3A_948 = arith.addi %iota3A, %add3A_947 : vector<16xi32>
    %add3A_949 = arith.constant 336 : i32
    %add3A_950 = arith.addi %sub3A_143, %add3A_949 : i32
    %add3A_951 = vector.broadcast %add3A_950 : i32 to vector<16xi32>
    %add3A_952 = arith.addi %add3A_951, %iota3A : vector<16xi32>
    %sub3A_953 = arith.constant 1 : i32
    %sub3A_954 = vector.broadcast %sub3A_953 : i32 to vector<16xi32>
    %sub3A_955 = arith.subi %add3A_952, %sub3A_954 : vector<16xi32>
    %jit3A_956 = arith.constant 0 : i32
    %jit3A_957 = arith.constant 527 : i32
    %max3A_958 = vector.broadcast %jit3A_956 : i32 to vector<16xi32>
    %max3A_959 = arith.maxsi %max3A_958, %sub3A_955 : vector<16xi32>
    %min3A_960 = vector.broadcast %jit3A_957 : i32 to vector<16xi32>
    %min3A_961 = arith.minsi %min3A_960, %max3A_959 : vector<16xi32>
    %gather3A_962 = tpu.vector_load_idx %arg8[%min3A_961] : memref<528xi32, #tpu.memory_space<vmem>>[vector<16xi32>], vector<16xi32>,
    %le3A_963 = vector.broadcast %min3A_133 : i32 to vector<16xi32>
    %le3A_964 = arith.cmpi sle, %add3A_948, %le3A_963 : vector<16xi32>
    %eq3A_965 = vector.broadcast %add3A_135 : i32 to vector<16xi32>
    %eq3A_966 = arith.cmpi eq, %add3A_948, %eq3A_965 : vector<16xi32>
    %jit3A_967 = arith.constant 2 : i32
    %jit3A_968 = arith.constant 1 : i32
    %broadcast_in_dim3A_969 = vector.broadcast %jit3A_967 : i32 to vector<16xi32>
    %broadcast_in_dim3A_970 = vector.broadcast %jit3A_968 : i32 to vector<16xi32>
    %select_n3A_971 = arith.select %eq3A_966, %broadcast_in_dim3A_969, %broadcast_in_dim3A_970 : vector<16xi1>, vector<16xi32>
    %select_n3A_972 = arith.select %le3A_964, %gather3A_962, %select_n3A_971 : vector<16xi1>, vector<16xi32>
    %swap3A_973 = arith.constant 336 : index
    %swap3A_974 = tpu.vector_load %arg9[%swap3A_973] {strides = array<i32>} : memref<512xi32, #tpu.memory_space<vmem>>, vector<16xi32>,
    tpu.vector_store %arg9[%swap3A_973], %select_n3A_972 {strides = array<i32>} : memref<512xi32, #tpu.memory_space<vmem>>, vector<16xi32>,
    %le3A_975 = vector.broadcast %add3A_135 : i32 to vector<16xi32>
    %le3A_976 = arith.cmpi sle, %add3A_948, %le3A_975 : vector<16xi32>
    %jit3A_977 = arith.constant 1 : i32
    %jit3A_978 = arith.constant 0 : i32
    %broadcast_in_dim3A_979 = vector.broadcast %jit3A_977 : i32 to vector<16xi32>
    %broadcast_in_dim3A_980 = vector.broadcast %jit3A_978 : i32 to vector<16xi32>
    %select_n3A_981 = arith.select %le3A_976, %broadcast_in_dim3A_979, %broadcast_in_dim3A_980 : vector<16xi1>, vector<16xi32>
    %swap3A_982 = arith.constant 336 : index
    %swap3A_983 = tpu.vector_load %arg10[%swap3A_982] {strides = array<i32>} : memref<512xi32, #tpu.memory_space<vmem>>, vector<16xi32>,
    tpu.vector_store %arg10[%swap3A_982], %select_n3A_981 {strides = array<i32>} : memref<512xi32, #tpu.memory_space<vmem>>, vector<16xi32>,
    %add3A_984 = arith.constant 352 : i32
    %add3A_985 = vector.broadcast %add3A_984 : i32 to vector<16xi32>
    %add3A_986 = arith.addi %iota3A, %add3A_985 : vector<16xi32>
    %add3A_987 = arith.constant 352 : i32
    %add3A_988 = arith.addi %sub3A_143, %add3A_987 : i32
    %add3A_989 = vector.broadcast %add3A_988 : i32 to vector<16xi32>
    %add3A_990 = arith.addi %add3A_989, %iota3A : vector<16xi32>
    %sub3A_991 = arith.constant 1 : i32
    %sub3A_992 = vector.broadcast %sub3A_991 : i32 to vector<16xi32>
    %sub3A_993 = arith.subi %add3A_990, %sub3A_992 : vector<16xi32>
    %jit3A_994 = arith.constant 0 : i32
    %jit3A_995 = arith.constant 527 : i32
    %max3A_996 = vector.broadcast %jit3A_994 : i32 to vector<16xi32>
    %max3A_997 = arith.maxsi %max3A_996, %sub3A_993 : vector<16xi32>
    %min3A_998 = vector.broadcast %jit3A_995 : i32 to vector<16xi32>
    %min3A_999 = arith.minsi %min3A_998, %max3A_997 : vector<16xi32>
    %gather3A_1000 = tpu.vector_load_idx %arg8[%min3A_999] : memref<528xi32, #tpu.memory_space<vmem>>[vector<16xi32>], vector<16xi32>,
    %le3A_1001 = vector.broadcast %min3A_133 : i32 to vector<16xi32>
    %le3A_1002 = arith.cmpi sle, %add3A_986, %le3A_1001 : vector<16xi32>
    %eq3A_1003 = vector.broadcast %add3A_135 : i32 to vector<16xi32>
    %eq3A_1004 = arith.cmpi eq, %add3A_986, %eq3A_1003 : vector<16xi32>
    %jit3A_1005 = arith.constant 2 : i32
    %jit3A_1006 = arith.constant 1 : i32
    %broadcast_in_dim3A_1007 = vector.broadcast %jit3A_1005 : i32 to vector<16xi32>
    %broadcast_in_dim3A_1008 = vector.broadcast %jit3A_1006 : i32 to vector<16xi32>
    %select_n3A_1009 = arith.select %eq3A_1004, %broadcast_in_dim3A_1007, %broadcast_in_dim3A_1008 : vector<16xi1>, vector<16xi32>
    %select_n3A_1010 = arith.select %le3A_1002, %gather3A_1000, %select_n3A_1009 : vector<16xi1>, vector<16xi32>
    %swap3A_1011 = arith.constant 352 : index
    %swap3A_1012 = tpu.vector_load %arg9[%swap3A_1011] {strides = array<i32>} : memref<512xi32, #tpu.memory_space<vmem>>, vector<16xi32>,
    tpu.vector_store %arg9[%swap3A_1011], %select_n3A_1010 {strides = array<i32>} : memref<512xi32, #tpu.memory_space<vmem>>, vector<16xi32>,
    %le3A_1013 = vector.broadcast %add3A_135 : i32 to vector<16xi32>
    %le3A_1014 = arith.cmpi sle, %add3A_986, %le3A_1013 : vector<16xi32>
    %jit3A_1015 = arith.constant 1 : i32
    %jit3A_1016 = arith.constant 0 : i32
    %broadcast_in_dim3A_1017 = vector.broadcast %jit3A_1015 : i32 to vector<16xi32>
    %broadcast_in_dim3A_1018 = vector.broadcast %jit3A_1016 : i32 to vector<16xi32>
    %select_n3A_1019 = arith.select %le3A_1014, %broadcast_in_dim3A_1017, %broadcast_in_dim3A_1018 : vector<16xi1>, vector<16xi32>
    %swap3A_1020 = arith.constant 352 : index
    %swap3A_1021 = tpu.vector_load %arg10[%swap3A_1020] {strides = array<i32>} : memref<512xi32, #tpu.memory_space<vmem>>, vector<16xi32>,
    tpu.vector_store %arg10[%swap3A_1020], %select_n3A_1019 {strides = array<i32>} : memref<512xi32, #tpu.memory_space<vmem>>, vector<16xi32>,
    %add3A_1022 = arith.constant 368 : i32
    %add3A_1023 = vector.broadcast %add3A_1022 : i32 to vector<16xi32>
    %add3A_1024 = arith.addi %iota3A, %add3A_1023 : vector<16xi32>
    %add3A_1025 = arith.constant 368 : i32
    %add3A_1026 = arith.addi %sub3A_143, %add3A_1025 : i32
    %add3A_1027 = vector.broadcast %add3A_1026 : i32 to vector<16xi32>
    %add3A_1028 = arith.addi %add3A_1027, %iota3A : vector<16xi32>
    %sub3A_1029 = arith.constant 1 : i32
    %sub3A_1030 = vector.broadcast %sub3A_1029 : i32 to vector<16xi32>
    %sub3A_1031 = arith.subi %add3A_1028, %sub3A_1030 : vector<16xi32>
    %jit3A_1032 = arith.constant 0 : i32
    %jit3A_1033 = arith.constant 527 : i32
    %max3A_1034 = vector.broadcast %jit3A_1032 : i32 to vector<16xi32>
    %max3A_1035 = arith.maxsi %max3A_1034, %sub3A_1031 : vector<16xi32>
    %min3A_1036 = vector.broadcast %jit3A_1033 : i32 to vector<16xi32>
    %min3A_1037 = arith.minsi %min3A_1036, %max3A_1035 : vector<16xi32>
    %gather3A_1038 = tpu.vector_load_idx %arg8[%min3A_1037] : memref<528xi32, #tpu.memory_space<vmem>>[vector<16xi32>], vector<16xi32>,
    %le3A_1039 = vector.broadcast %min3A_133 : i32 to vector<16xi32>
    %le3A_1040 = arith.cmpi sle, %add3A_1024, %le3A_1039 : vector<16xi32>
    %eq3A_1041 = vector.broadcast %add3A_135 : i32 to vector<16xi32>
    %eq3A_1042 = arith.cmpi eq, %add3A_1024, %eq3A_1041 : vector<16xi32>
    %jit3A_1043 = arith.constant 2 : i32
    %jit3A_1044 = arith.constant 1 : i32
    %broadcast_in_dim3A_1045 = vector.broadcast %jit3A_1043 : i32 to vector<16xi32>
    %broadcast_in_dim3A_1046 = vector.broadcast %jit3A_1044 : i32 to vector<16xi32>
    %select_n3A_1047 = arith.select %eq3A_1042, %broadcast_in_dim3A_1045, %broadcast_in_dim3A_1046 : vector<16xi1>, vector<16xi32>
    %select_n3A_1048 = arith.select %le3A_1040, %gather3A_1038, %select_n3A_1047 : vector<16xi1>, vector<16xi32>
    %swap3A_1049 = arith.constant 368 : index
    %swap3A_1050 = tpu.vector_load %arg9[%swap3A_1049] {strides = array<i32>} : memref<512xi32, #tpu.memory_space<vmem>>, vector<16xi32>,
    tpu.vector_store %arg9[%swap3A_1049], %select_n3A_1048 {strides = array<i32>} : memref<512xi32, #tpu.memory_space<vmem>>, vector<16xi32>,
    %le3A_1051 = vector.broadcast %add3A_135 : i32 to vector<16xi32>
    %le3A_1052 = arith.cmpi sle, %add3A_1024, %le3A_1051 : vector<16xi32>
    %jit3A_1053 = arith.constant 1 : i32
    %jit3A_1054 = arith.constant 0 : i32
    %broadcast_in_dim3A_1055 = vector.broadcast %jit3A_1053 : i32 to vector<16xi32>
    %broadcast_in_dim3A_1056 = vector.broadcast %jit3A_1054 : i32 to vector<16xi32>
    %select_n3A_1057 = arith.select %le3A_1052, %broadcast_in_dim3A_1055, %broadcast_in_dim3A_1056 : vector<16xi1>, vector<16xi32>
    %swap3A_1058 = arith.constant 368 : index
    %swap3A_1059 = tpu.vector_load %arg10[%swap3A_1058] {strides = array<i32>} : memref<512xi32, #tpu.memory_space<vmem>>, vector<16xi32>,
    tpu.vector_store %arg10[%swap3A_1058], %select_n3A_1057 {strides = array<i32>} : memref<512xi32, #tpu.memory_space<vmem>>, vector<16xi32>,
    %add3A_1060 = arith.constant 384 : i32
    %add3A_1061 = vector.broadcast %add3A_1060 : i32 to vector<16xi32>
    %add3A_1062 = arith.addi %iota3A, %add3A_1061 : vector<16xi32>
    %add3A_1063 = arith.constant 384 : i32
    %add3A_1064 = arith.addi %sub3A_143, %add3A_1063 : i32
    %add3A_1065 = vector.broadcast %add3A_1064 : i32 to vector<16xi32>
    %add3A_1066 = arith.addi %add3A_1065, %iota3A : vector<16xi32>
    %sub3A_1067 = arith.constant 1 : i32
    %sub3A_1068 = vector.broadcast %sub3A_1067 : i32 to vector<16xi32>
    %sub3A_1069 = arith.subi %add3A_1066, %sub3A_1068 : vector<16xi32>
    %jit3A_1070 = arith.constant 0 : i32
    %jit3A_1071 = arith.constant 527 : i32
    %max3A_1072 = vector.broadcast %jit3A_1070 : i32 to vector<16xi32>
    %max3A_1073 = arith.maxsi %max3A_1072, %sub3A_1069 : vector<16xi32>
    %min3A_1074 = vector.broadcast %jit3A_1071 : i32 to vector<16xi32>
    %min3A_1075 = arith.minsi %min3A_1074, %max3A_1073 : vector<16xi32>
    %gather3A_1076 = tpu.vector_load_idx %arg8[%min3A_1075] : memref<528xi32, #tpu.memory_space<vmem>>[vector<16xi32>], vector<16xi32>,
    %le3A_1077 = vector.broadcast %min3A_133 : i32 to vector<16xi32>
    %le3A_1078 = arith.cmpi sle, %add3A_1062, %le3A_1077 : vector<16xi32>
    %eq3A_1079 = vector.broadcast %add3A_135 : i32 to vector<16xi32>
    %eq3A_1080 = arith.cmpi eq, %add3A_1062, %eq3A_1079 : vector<16xi32>
    %jit3A_1081 = arith.constant 2 : i32
    %jit3A_1082 = arith.constant 1 : i32
    %broadcast_in_dim3A_1083 = vector.broadcast %jit3A_1081 : i32 to vector<16xi32>
    %broadcast_in_dim3A_1084 = vector.broadcast %jit3A_1082 : i32 to vector<16xi32>
    %select_n3A_1085 = arith.select %eq3A_1080, %broadcast_in_dim3A_1083, %broadcast_in_dim3A_1084 : vector<16xi1>, vector<16xi32>
    %select_n3A_1086 = arith.select %le3A_1078, %gather3A_1076, %select_n3A_1085 : vector<16xi1>, vector<16xi32>
    %swap3A_1087 = arith.constant 384 : index
    %swap3A_1088 = tpu.vector_load %arg9[%swap3A_1087] {strides = array<i32>} : memref<512xi32, #tpu.memory_space<vmem>>, vector<16xi32>,
    tpu.vector_store %arg9[%swap3A_1087], %select_n3A_1086 {strides = array<i32>} : memref<512xi32, #tpu.memory_space<vmem>>, vector<16xi32>,
    %le3A_1089 = vector.broadcast %add3A_135 : i32 to vector<16xi32>
    %le3A_1090 = arith.cmpi sle, %add3A_1062, %le3A_1089 : vector<16xi32>
    %jit3A_1091 = arith.constant 1 : i32
    %jit3A_1092 = arith.constant 0 : i32
    %broadcast_in_dim3A_1093 = vector.broadcast %jit3A_1091 : i32 to vector<16xi32>
    %broadcast_in_dim3A_1094 = vector.broadcast %jit3A_1092 : i32 to vector<16xi32>
    %select_n3A_1095 = arith.select %le3A_1090, %broadcast_in_dim3A_1093, %broadcast_in_dim3A_1094 : vector<16xi1>, vector<16xi32>
    %swap3A_1096 = arith.constant 384 : index
    %swap3A_1097 = tpu.vector_load %arg10[%swap3A_1096] {strides = array<i32>} : memref<512xi32, #tpu.memory_space<vmem>>, vector<16xi32>,
    tpu.vector_store %arg10[%swap3A_1096], %select_n3A_1095 {strides = array<i32>} : memref<512xi32, #tpu.memory_space<vmem>>, vector<16xi32>,
    %add3A_1098 = arith.constant 400 : i32
    %add3A_1099 = vector.broadcast %add3A_1098 : i32 to vector<16xi32>
    %add3A_1100 = arith.addi %iota3A, %add3A_1099 : vector<16xi32>
    %add3A_1101 = arith.constant 400 : i32
    %add3A_1102 = arith.addi %sub3A_143, %add3A_1101 : i32
    %add3A_1103 = vector.broadcast %add3A_1102 : i32 to vector<16xi32>
    %add3A_1104 = arith.addi %add3A_1103, %iota3A : vector<16xi32>
    %sub3A_1105 = arith.constant 1 : i32
    %sub3A_1106 = vector.broadcast %sub3A_1105 : i32 to vector<16xi32>
    %sub3A_1107 = arith.subi %add3A_1104, %sub3A_1106 : vector<16xi32>
    %jit3A_1108 = arith.constant 0 : i32
    %jit3A_1109 = arith.constant 527 : i32
    %max3A_1110 = vector.broadcast %jit3A_1108 : i32 to vector<16xi32>
    %max3A_1111 = arith.maxsi %max3A_1110, %sub3A_1107 : vector<16xi32>
    %min3A_1112 = vector.broadcast %jit3A_1109 : i32 to vector<16xi32>
    %min3A_1113 = arith.minsi %min3A_1112, %max3A_1111 : vector<16xi32>
    %gather3A_1114 = tpu.vector_load_idx %arg8[%min3A_1113] : memref<528xi32, #tpu.memory_space<vmem>>[vector<16xi32>], vector<16xi32>,
    %le3A_1115 = vector.broadcast %min3A_133 : i32 to vector<16xi32>
    %le3A_1116 = arith.cmpi sle, %add3A_1100, %le3A_1115 : vector<16xi32>
    %eq3A_1117 = vector.broadcast %add3A_135 : i32 to vector<16xi32>
    %eq3A_1118 = arith.cmpi eq, %add3A_1100, %eq3A_1117 : vector<16xi32>
    %jit3A_1119 = arith.constant 2 : i32
    %jit3A_1120 = arith.constant 1 : i32
    %broadcast_in_dim3A_1121 = vector.broadcast %jit3A_1119 : i32 to vector<16xi32>
    %broadcast_in_dim3A_1122 = vector.broadcast %jit3A_1120 : i32 to vector<16xi32>
    %select_n3A_1123 = arith.select %eq3A_1118, %broadcast_in_dim3A_1121, %broadcast_in_dim3A_1122 : vector<16xi1>, vector<16xi32>
    %select_n3A_1124 = arith.select %le3A_1116, %gather3A_1114, %select_n3A_1123 : vector<16xi1>, vector<16xi32>
    %swap3A_1125 = arith.constant 400 : index
    %swap3A_1126 = tpu.vector_load %arg9[%swap3A_1125] {strides = array<i32>} : memref<512xi32, #tpu.memory_space<vmem>>, vector<16xi32>,
    tpu.vector_store %arg9[%swap3A_1125], %select_n3A_1124 {strides = array<i32>} : memref<512xi32, #tpu.memory_space<vmem>>, vector<16xi32>,
    %le3A_1127 = vector.broadcast %add3A_135 : i32 to vector<16xi32>
    %le3A_1128 = arith.cmpi sle, %add3A_1100, %le3A_1127 : vector<16xi32>
    %jit3A_1129 = arith.constant 1 : i32
    %jit3A_1130 = arith.constant 0 : i32
    %broadcast_in_dim3A_1131 = vector.broadcast %jit3A_1129 : i32 to vector<16xi32>
    %broadcast_in_dim3A_1132 = vector.broadcast %jit3A_1130 : i32 to vector<16xi32>
    %select_n3A_1133 = arith.select %le3A_1128, %broadcast_in_dim3A_1131, %broadcast_in_dim3A_1132 : vector<16xi1>, vector<16xi32>
    %swap3A_1134 = arith.constant 400 : index
    %swap3A_1135 = tpu.vector_load %arg10[%swap3A_1134] {strides = array<i32>} : memref<512xi32, #tpu.memory_space<vmem>>, vector<16xi32>,
    tpu.vector_store %arg10[%swap3A_1134], %select_n3A_1133 {strides = array<i32>} : memref<512xi32, #tpu.memory_space<vmem>>, vector<16xi32>,
    %add3A_1136 = arith.constant 416 : i32
    %add3A_1137 = vector.broadcast %add3A_1136 : i32 to vector<16xi32>
    %add3A_1138 = arith.addi %iota3A, %add3A_1137 : vector<16xi32>
    %add3A_1139 = arith.constant 416 : i32
    %add3A_1140 = arith.addi %sub3A_143, %add3A_1139 : i32
    %add3A_1141 = vector.broadcast %add3A_1140 : i32 to vector<16xi32>
    %add3A_1142 = arith.addi %add3A_1141, %iota3A : vector<16xi32>
    %sub3A_1143 = arith.constant 1 : i32
    %sub3A_1144 = vector.broadcast %sub3A_1143 : i32 to vector<16xi32>
    %sub3A_1145 = arith.subi %add3A_1142, %sub3A_1144 : vector<16xi32>
    %jit3A_1146 = arith.constant 0 : i32
    %jit3A_1147 = arith.constant 527 : i32
    %max3A_1148 = vector.broadcast %jit3A_1146 : i32 to vector<16xi32>
    %max3A_1149 = arith.maxsi %max3A_1148, %sub3A_1145 : vector<16xi32>
    %min3A_1150 = vector.broadcast %jit3A_1147 : i32 to vector<16xi32>
    %min3A_1151 = arith.minsi %min3A_1150, %max3A_1149 : vector<16xi32>
    %gather3A_1152 = tpu.vector_load_idx %arg8[%min3A_1151] : memref<528xi32, #tpu.memory_space<vmem>>[vector<16xi32>], vector<16xi32>,
    %le3A_1153 = vector.broadcast %min3A_133 : i32 to vector<16xi32>
    %le3A_1154 = arith.cmpi sle, %add3A_1138, %le3A_1153 : vector<16xi32>
    %eq3A_1155 = vector.broadcast %add3A_135 : i32 to vector<16xi32>
    %eq3A_1156 = arith.cmpi eq, %add3A_1138, %eq3A_1155 : vector<16xi32>
    %jit3A_1157 = arith.constant 2 : i32
    %jit3A_1158 = arith.constant 1 : i32
    %broadcast_in_dim3A_1159 = vector.broadcast %jit3A_1157 : i32 to vector<16xi32>
    %broadcast_in_dim3A_1160 = vector.broadcast %jit3A_1158 : i32 to vector<16xi32>
    %select_n3A_1161 = arith.select %eq3A_1156, %broadcast_in_dim3A_1159, %broadcast_in_dim3A_1160 : vector<16xi1>, vector<16xi32>
    %select_n3A_1162 = arith.select %le3A_1154, %gather3A_1152, %select_n3A_1161 : vector<16xi1>, vector<16xi32>
    %swap3A_1163 = arith.constant 416 : index
    %swap3A_1164 = tpu.vector_load %arg9[%swap3A_1163] {strides = array<i32>} : memref<512xi32, #tpu.memory_space<vmem>>, vector<16xi32>,
    tpu.vector_store %arg9[%swap3A_1163], %select_n3A_1162 {strides = array<i32>} : memref<512xi32, #tpu.memory_space<vmem>>, vector<16xi32>,
    %le3A_1165 = vector.broadcast %add3A_135 : i32 to vector<16xi32>
    %le3A_1166 = arith.cmpi sle, %add3A_1138, %le3A_1165 : vector<16xi32>
    %jit3A_1167 = arith.constant 1 : i32
    %jit3A_1168 = arith.constant 0 : i32
    %broadcast_in_dim3A_1169 = vector.broadcast %jit3A_1167 : i32 to vector<16xi32>
    %broadcast_in_dim3A_1170 = vector.broadcast %jit3A_1168 : i32 to vector<16xi32>
    %select_n3A_1171 = arith.select %le3A_1166, %broadcast_in_dim3A_1169, %broadcast_in_dim3A_1170 : vector<16xi1>, vector<16xi32>
    %swap3A_1172 = arith.constant 416 : index
    %swap3A_1173 = tpu.vector_load %arg10[%swap3A_1172] {strides = array<i32>} : memref<512xi32, #tpu.memory_space<vmem>>, vector<16xi32>,
    tpu.vector_store %arg10[%swap3A_1172], %select_n3A_1171 {strides = array<i32>} : memref<512xi32, #tpu.memory_space<vmem>>, vector<16xi32>,
    %add3A_1174 = arith.constant 432 : i32
    %add3A_1175 = vector.broadcast %add3A_1174 : i32 to vector<16xi32>
    %add3A_1176 = arith.addi %iota3A, %add3A_1175 : vector<16xi32>
    %add3A_1177 = arith.constant 432 : i32
    %add3A_1178 = arith.addi %sub3A_143, %add3A_1177 : i32
    %add3A_1179 = vector.broadcast %add3A_1178 : i32 to vector<16xi32>
    %add3A_1180 = arith.addi %add3A_1179, %iota3A : vector<16xi32>
    %sub3A_1181 = arith.constant 1 : i32
    %sub3A_1182 = vector.broadcast %sub3A_1181 : i32 to vector<16xi32>
    %sub3A_1183 = arith.subi %add3A_1180, %sub3A_1182 : vector<16xi32>
    %jit3A_1184 = arith.constant 0 : i32
    %jit3A_1185 = arith.constant 527 : i32
    %max3A_1186 = vector.broadcast %jit3A_1184 : i32 to vector<16xi32>
    %max3A_1187 = arith.maxsi %max3A_1186, %sub3A_1183 : vector<16xi32>
    %min3A_1188 = vector.broadcast %jit3A_1185 : i32 to vector<16xi32>
    %min3A_1189 = arith.minsi %min3A_1188, %max3A_1187 : vector<16xi32>
    %gather3A_1190 = tpu.vector_load_idx %arg8[%min3A_1189] : memref<528xi32, #tpu.memory_space<vmem>>[vector<16xi32>], vector<16xi32>,
    %le3A_1191 = vector.broadcast %min3A_133 : i32 to vector<16xi32>
    %le3A_1192 = arith.cmpi sle, %add3A_1176, %le3A_1191 : vector<16xi32>
    %eq3A_1193 = vector.broadcast %add3A_135 : i32 to vector<16xi32>
    %eq3A_1194 = arith.cmpi eq, %add3A_1176, %eq3A_1193 : vector<16xi32>
    %jit3A_1195 = arith.constant 2 : i32
    %jit3A_1196 = arith.constant 1 : i32
    %broadcast_in_dim3A_1197 = vector.broadcast %jit3A_1195 : i32 to vector<16xi32>
    %broadcast_in_dim3A_1198 = vector.broadcast %jit3A_1196 : i32 to vector<16xi32>
    %select_n3A_1199 = arith.select %eq3A_1194, %broadcast_in_dim3A_1197, %broadcast_in_dim3A_1198 : vector<16xi1>, vector<16xi32>
    %select_n3A_1200 = arith.select %le3A_1192, %gather3A_1190, %select_n3A_1199 : vector<16xi1>, vector<16xi32>
    %swap3A_1201 = arith.constant 432 : index
    %swap3A_1202 = tpu.vector_load %arg9[%swap3A_1201] {strides = array<i32>} : memref<512xi32, #tpu.memory_space<vmem>>, vector<16xi32>,
    tpu.vector_store %arg9[%swap3A_1201], %select_n3A_1200 {strides = array<i32>} : memref<512xi32, #tpu.memory_space<vmem>>, vector<16xi32>,
    %le3A_1203 = vector.broadcast %add3A_135 : i32 to vector<16xi32>
    %le3A_1204 = arith.cmpi sle, %add3A_1176, %le3A_1203 : vector<16xi32>
    %jit3A_1205 = arith.constant 1 : i32
    %jit3A_1206 = arith.constant 0 : i32
    %broadcast_in_dim3A_1207 = vector.broadcast %jit3A_1205 : i32 to vector<16xi32>
    %broadcast_in_dim3A_1208 = vector.broadcast %jit3A_1206 : i32 to vector<16xi32>
    %select_n3A_1209 = arith.select %le3A_1204, %broadcast_in_dim3A_1207, %broadcast_in_dim3A_1208 : vector<16xi1>, vector<16xi32>
    %swap3A_1210 = arith.constant 432 : index
    %swap3A_1211 = tpu.vector_load %arg10[%swap3A_1210] {strides = array<i32>} : memref<512xi32, #tpu.memory_space<vmem>>, vector<16xi32>,
    tpu.vector_store %arg10[%swap3A_1210], %select_n3A_1209 {strides = array<i32>} : memref<512xi32, #tpu.memory_space<vmem>>, vector<16xi32>,
    %add3A_1212 = arith.constant 448 : i32
    %add3A_1213 = vector.broadcast %add3A_1212 : i32 to vector<16xi32>
    %add3A_1214 = arith.addi %iota3A, %add3A_1213 : vector<16xi32>
    %add3A_1215 = arith.constant 448 : i32
    %add3A_1216 = arith.addi %sub3A_143, %add3A_1215 : i32
    %add3A_1217 = vector.broadcast %add3A_1216 : i32 to vector<16xi32>
    %add3A_1218 = arith.addi %add3A_1217, %iota3A : vector<16xi32>
    %sub3A_1219 = arith.constant 1 : i32
    %sub3A_1220 = vector.broadcast %sub3A_1219 : i32 to vector<16xi32>
    %sub3A_1221 = arith.subi %add3A_1218, %sub3A_1220 : vector<16xi32>
    %jit3A_1222 = arith.constant 0 : i32
    %jit3A_1223 = arith.constant 527 : i32
    %max3A_1224 = vector.broadcast %jit3A_1222 : i32 to vector<16xi32>
    %max3A_1225 = arith.maxsi %max3A_1224, %sub3A_1221 : vector<16xi32>
    %min3A_1226 = vector.broadcast %jit3A_1223 : i32 to vector<16xi32>
    %min3A_1227 = arith.minsi %min3A_1226, %max3A_1225 : vector<16xi32>
    %gather3A_1228 = tpu.vector_load_idx %arg8[%min3A_1227] : memref<528xi32, #tpu.memory_space<vmem>>[vector<16xi32>], vector<16xi32>,
    %le3A_1229 = vector.broadcast %min3A_133 : i32 to vector<16xi32>
    %le3A_1230 = arith.cmpi sle, %add3A_1214, %le3A_1229 : vector<16xi32>
    %eq3A_1231 = vector.broadcast %add3A_135 : i32 to vector<16xi32>
    %eq3A_1232 = arith.cmpi eq, %add3A_1214, %eq3A_1231 : vector<16xi32>
    %jit3A_1233 = arith.constant 2 : i32
    %jit3A_1234 = arith.constant 1 : i32
    %broadcast_in_dim3A_1235 = vector.broadcast %jit3A_1233 : i32 to vector<16xi32>
    %broadcast_in_dim3A_1236 = vector.broadcast %jit3A_1234 : i32 to vector<16xi32>
    %select_n3A_1237 = arith.select %eq3A_1232, %broadcast_in_dim3A_1235, %broadcast_in_dim3A_1236 : vector<16xi1>, vector<16xi32>
    %select_n3A_1238 = arith.select %le3A_1230, %gather3A_1228, %select_n3A_1237 : vector<16xi1>, vector<16xi32>
    %swap3A_1239 = arith.constant 448 : index
    %swap3A_1240 = tpu.vector_load %arg9[%swap3A_1239] {strides = array<i32>} : memref<512xi32, #tpu.memory_space<vmem>>, vector<16xi32>,
    tpu.vector_store %arg9[%swap3A_1239], %select_n3A_1238 {strides = array<i32>} : memref<512xi32, #tpu.memory_space<vmem>>, vector<16xi32>,
    %le3A_1241 = vector.broadcast %add3A_135 : i32 to vector<16xi32>
    %le3A_1242 = arith.cmpi sle, %add3A_1214, %le3A_1241 : vector<16xi32>
    %jit3A_1243 = arith.constant 1 : i32
    %jit3A_1244 = arith.constant 0 : i32
    %broadcast_in_dim3A_1245 = vector.broadcast %jit3A_1243 : i32 to vector<16xi32>
    %broadcast_in_dim3A_1246 = vector.broadcast %jit3A_1244 : i32 to vector<16xi32>
    %select_n3A_1247 = arith.select %le3A_1242, %broadcast_in_dim3A_1245, %broadcast_in_dim3A_1246 : vector<16xi1>, vector<16xi32>
    %swap3A_1248 = arith.constant 448 : index
    %swap3A_1249 = tpu.vector_load %arg10[%swap3A_1248] {strides = array<i32>} : memref<512xi32, #tpu.memory_space<vmem>>, vector<16xi32>,
    tpu.vector_store %arg10[%swap3A_1248], %select_n3A_1247 {strides = array<i32>} : memref<512xi32, #tpu.memory_space<vmem>>, vector<16xi32>,
    %add3A_1250 = arith.constant 464 : i32
    %add3A_1251 = vector.broadcast %add3A_1250 : i32 to vector<16xi32>
    %add3A_1252 = arith.addi %iota3A, %add3A_1251 : vector<16xi32>
    %add3A_1253 = arith.constant 464 : i32
    %add3A_1254 = arith.addi %sub3A_143, %add3A_1253 : i32
    %add3A_1255 = vector.broadcast %add3A_1254 : i32 to vector<16xi32>
    %add3A_1256 = arith.addi %add3A_1255, %iota3A : vector<16xi32>
    %sub3A_1257 = arith.constant 1 : i32
    %sub3A_1258 = vector.broadcast %sub3A_1257 : i32 to vector<16xi32>
    %sub3A_1259 = arith.subi %add3A_1256, %sub3A_1258 : vector<16xi32>
    %jit3A_1260 = arith.constant 0 : i32
    %jit3A_1261 = arith.constant 527 : i32
    %max3A_1262 = vector.broadcast %jit3A_1260 : i32 to vector<16xi32>
    %max3A_1263 = arith.maxsi %max3A_1262, %sub3A_1259 : vector<16xi32>
    %min3A_1264 = vector.broadcast %jit3A_1261 : i32 to vector<16xi32>
    %min3A_1265 = arith.minsi %min3A_1264, %max3A_1263 : vector<16xi32>
    %gather3A_1266 = tpu.vector_load_idx %arg8[%min3A_1265] : memref<528xi32, #tpu.memory_space<vmem>>[vector<16xi32>], vector<16xi32>,
    %le3A_1267 = vector.broadcast %min3A_133 : i32 to vector<16xi32>
    %le3A_1268 = arith.cmpi sle, %add3A_1252, %le3A_1267 : vector<16xi32>
    %eq3A_1269 = vector.broadcast %add3A_135 : i32 to vector<16xi32>
    %eq3A_1270 = arith.cmpi eq, %add3A_1252, %eq3A_1269 : vector<16xi32>
    %jit3A_1271 = arith.constant 2 : i32
    %jit3A_1272 = arith.constant 1 : i32
    %broadcast_in_dim3A_1273 = vector.broadcast %jit3A_1271 : i32 to vector<16xi32>
    %broadcast_in_dim3A_1274 = vector.broadcast %jit3A_1272 : i32 to vector<16xi32>
    %select_n3A_1275 = arith.select %eq3A_1270, %broadcast_in_dim3A_1273, %broadcast_in_dim3A_1274 : vector<16xi1>, vector<16xi32>
    %select_n3A_1276 = arith.select %le3A_1268, %gather3A_1266, %select_n3A_1275 : vector<16xi1>, vector<16xi32>
    %swap3A_1277 = arith.constant 464 : index
    %swap3A_1278 = tpu.vector_load %arg9[%swap3A_1277] {strides = array<i32>} : memref<512xi32, #tpu.memory_space<vmem>>, vector<16xi32>,
    tpu.vector_store %arg9[%swap3A_1277], %select_n3A_1276 {strides = array<i32>} : memref<512xi32, #tpu.memory_space<vmem>>, vector<16xi32>,
    %le3A_1279 = vector.broadcast %add3A_135 : i32 to vector<16xi32>
    %le3A_1280 = arith.cmpi sle, %add3A_1252, %le3A_1279 : vector<16xi32>
    %jit3A_1281 = arith.constant 1 : i32
    %jit3A_1282 = arith.constant 0 : i32
    %broadcast_in_dim3A_1283 = vector.broadcast %jit3A_1281 : i32 to vector<16xi32>
    %broadcast_in_dim3A_1284 = vector.broadcast %jit3A_1282 : i32 to vector<16xi32>
    %select_n3A_1285 = arith.select %le3A_1280, %broadcast_in_dim3A_1283, %broadcast_in_dim3A_1284 : vector<16xi1>, vector<16xi32>
    %swap3A_1286 = arith.constant 464 : index
    %swap3A_1287 = tpu.vector_load %arg10[%swap3A_1286] {strides = array<i32>} : memref<512xi32, #tpu.memory_space<vmem>>, vector<16xi32>,
    tpu.vector_store %arg10[%swap3A_1286], %select_n3A_1285 {strides = array<i32>} : memref<512xi32, #tpu.memory_space<vmem>>, vector<16xi32>,
    %add3A_1288 = arith.constant 480 : i32
    %add3A_1289 = vector.broadcast %add3A_1288 : i32 to vector<16xi32>
    %add3A_1290 = arith.addi %iota3A, %add3A_1289 : vector<16xi32>
    %add3A_1291 = arith.constant 480 : i32
    %add3A_1292 = arith.addi %sub3A_143, %add3A_1291 : i32
    %add3A_1293 = vector.broadcast %add3A_1292 : i32 to vector<16xi32>
    %add3A_1294 = arith.addi %add3A_1293, %iota3A : vector<16xi32>
    %sub3A_1295 = arith.constant 1 : i32
    %sub3A_1296 = vector.broadcast %sub3A_1295 : i32 to vector<16xi32>
    %sub3A_1297 = arith.subi %add3A_1294, %sub3A_1296 : vector<16xi32>
    %jit3A_1298 = arith.constant 0 : i32
    %jit3A_1299 = arith.constant 527 : i32
    %max3A_1300 = vector.broadcast %jit3A_1298 : i32 to vector<16xi32>
    %max3A_1301 = arith.maxsi %max3A_1300, %sub3A_1297 : vector<16xi32>
    %min3A_1302 = vector.broadcast %jit3A_1299 : i32 to vector<16xi32>
    %min3A_1303 = arith.minsi %min3A_1302, %max3A_1301 : vector<16xi32>
    %gather3A_1304 = tpu.vector_load_idx %arg8[%min3A_1303] : memref<528xi32, #tpu.memory_space<vmem>>[vector<16xi32>], vector<16xi32>,
    %le3A_1305 = vector.broadcast %min3A_133 : i32 to vector<16xi32>
    %le3A_1306 = arith.cmpi sle, %add3A_1290, %le3A_1305 : vector<16xi32>
    %eq3A_1307 = vector.broadcast %add3A_135 : i32 to vector<16xi32>
    %eq3A_1308 = arith.cmpi eq, %add3A_1290, %eq3A_1307 : vector<16xi32>
    %jit3A_1309 = arith.constant 2 : i32
    %jit3A_1310 = arith.constant 1 : i32
    %broadcast_in_dim3A_1311 = vector.broadcast %jit3A_1309 : i32 to vector<16xi32>
    %broadcast_in_dim3A_1312 = vector.broadcast %jit3A_1310 : i32 to vector<16xi32>
    %select_n3A_1313 = arith.select %eq3A_1308, %broadcast_in_dim3A_1311, %broadcast_in_dim3A_1312 : vector<16xi1>, vector<16xi32>
    %select_n3A_1314 = arith.select %le3A_1306, %gather3A_1304, %select_n3A_1313 : vector<16xi1>, vector<16xi32>
    %swap3A_1315 = arith.constant 480 : index
    %swap3A_1316 = tpu.vector_load %arg9[%swap3A_1315] {strides = array<i32>} : memref<512xi32, #tpu.memory_space<vmem>>, vector<16xi32>,
    tpu.vector_store %arg9[%swap3A_1315], %select_n3A_1314 {strides = array<i32>} : memref<512xi32, #tpu.memory_space<vmem>>, vector<16xi32>,
    %le3A_1317 = vector.broadcast %add3A_135 : i32 to vector<16xi32>
    %le3A_1318 = arith.cmpi sle, %add3A_1290, %le3A_1317 : vector<16xi32>
    %jit3A_1319 = arith.constant 1 : i32
    %jit3A_1320 = arith.constant 0 : i32
    %broadcast_in_dim3A_1321 = vector.broadcast %jit3A_1319 : i32 to vector<16xi32>
    %broadcast_in_dim3A_1322 = vector.broadcast %jit3A_1320 : i32 to vector<16xi32>
    %select_n3A_1323 = arith.select %le3A_1318, %broadcast_in_dim3A_1321, %broadcast_in_dim3A_1322 : vector<16xi1>, vector<16xi32>
    %swap3A_1324 = arith.constant 480 : index
    %swap3A_1325 = tpu.vector_load %arg10[%swap3A_1324] {strides = array<i32>} : memref<512xi32, #tpu.memory_space<vmem>>, vector<16xi32>,
    tpu.vector_store %arg10[%swap3A_1324], %select_n3A_1323 {strides = array<i32>} : memref<512xi32, #tpu.memory_space<vmem>>, vector<16xi32>,
    %add3A_1326 = arith.constant 496 : i32
    %add3A_1327 = vector.broadcast %add3A_1326 : i32 to vector<16xi32>
    %add3A_1328 = arith.addi %iota3A, %add3A_1327 : vector<16xi32>
    %add3A_1329 = arith.constant 496 : i32
    %add3A_1330 = arith.addi %sub3A_143, %add3A_1329 : i32
    %add3A_1331 = vector.broadcast %add3A_1330 : i32 to vector<16xi32>
    %add3A_1332 = arith.addi %add3A_1331, %iota3A : vector<16xi32>
    %sub3A_1333 = arith.constant 1 : i32
    %sub3A_1334 = vector.broadcast %sub3A_1333 : i32 to vector<16xi32>
    %sub3A_1335 = arith.subi %add3A_1332, %sub3A_1334 : vector<16xi32>
    %jit3A_1336 = arith.constant 0 : i32
    %jit3A_1337 = arith.constant 527 : i32
    %max3A_1338 = vector.broadcast %jit3A_1336 : i32 to vector<16xi32>
    %max3A_1339 = arith.maxsi %max3A_1338, %sub3A_1335 : vector<16xi32>
    %min3A_1340 = vector.broadcast %jit3A_1337 : i32 to vector<16xi32>
    %min3A_1341 = arith.minsi %min3A_1340, %max3A_1339 : vector<16xi32>
    %gather3A_1342 = tpu.vector_load_idx %arg8[%min3A_1341] : memref<528xi32, #tpu.memory_space<vmem>>[vector<16xi32>], vector<16xi32>,
    %le3A_1343 = vector.broadcast %min3A_133 : i32 to vector<16xi32>
    %le3A_1344 = arith.cmpi sle, %add3A_1328, %le3A_1343 : vector<16xi32>
    %eq3A_1345 = vector.broadcast %add3A_135 : i32 to vector<16xi32>
    %eq3A_1346 = arith.cmpi eq, %add3A_1328, %eq3A_1345 : vector<16xi32>
    %jit3A_1347 = arith.constant 2 : i32
    %jit3A_1348 = arith.constant 1 : i32
    %broadcast_in_dim3A_1349 = vector.broadcast %jit3A_1347 : i32 to vector<16xi32>
    %broadcast_in_dim3A_1350 = vector.broadcast %jit3A_1348 : i32 to vector<16xi32>
    %select_n3A_1351 = arith.select %eq3A_1346, %broadcast_in_dim3A_1349, %broadcast_in_dim3A_1350 : vector<16xi1>, vector<16xi32>
    %select_n3A_1352 = arith.select %le3A_1344, %gather3A_1342, %select_n3A_1351 : vector<16xi1>, vector<16xi32>
    %swap3A_1353 = arith.constant 496 : index
    %swap3A_1354 = tpu.vector_load %arg9[%swap3A_1353] {strides = array<i32>} : memref<512xi32, #tpu.memory_space<vmem>>, vector<16xi32>,
    tpu.vector_store %arg9[%swap3A_1353], %select_n3A_1352 {strides = array<i32>} : memref<512xi32, #tpu.memory_space<vmem>>, vector<16xi32>,
    %le3A_1355 = vector.broadcast %add3A_135 : i32 to vector<16xi32>
    %le3A_1356 = arith.cmpi sle, %add3A_1328, %le3A_1355 : vector<16xi32>
    %jit3A_1357 = arith.constant 1 : i32
    %jit3A_1358 = arith.constant 0 : i32
    %broadcast_in_dim3A_1359 = vector.broadcast %jit3A_1357 : i32 to vector<16xi32>
    %broadcast_in_dim3A_1360 = vector.broadcast %jit3A_1358 : i32 to vector<16xi32>
    %select_n3A_1361 = arith.select %le3A_1356, %broadcast_in_dim3A_1359, %broadcast_in_dim3A_1360 : vector<16xi1>, vector<16xi32>
    %swap3A_1362 = arith.constant 496 : index
    %swap3A_1363 = tpu.vector_load %arg10[%swap3A_1362] {strides = array<i32>} : memref<512xi32, #tpu.memory_space<vmem>>, vector<16xi32>,
    tpu.vector_store %arg10[%swap3A_1362], %select_n3A_1361 {strides = array<i32>} : memref<512xi32, #tpu.memory_space<vmem>>, vector<16xi32>,
    %dma_start3A_1364 = arith.constant 0 : i32
    %dma_start3A_1365 = tpu.memref_slice %arg4[%arg1, %dma_start3A_1364] : memref<16x512xi32, #tpu.memory_space<hbm>> -> memref<1x512xi32, #tpu.memory_space<hbm>>
    %dma_start3A_1366 = tpu.memref_squeeze %dma_start3A_1365 : memref<1x512xi32, #tpu.memory_space<hbm>> -> memref<512xi32, #tpu.memory_space<hbm>>
    %dma_start3A_1367 = arith.constant 0 : i32
    %dma_start3A_1368 = tpu.memref_slice %arg4[%arg1, %dma_start3A_1367] : memref<16x512xi32, #tpu.memory_space<hbm>> -> memref<1x512xi32, #tpu.memory_space<hbm>>
    %dma_start3A_1369 = tpu.memref_squeeze %dma_start3A_1368 : memref<1x512xi32, #tpu.memory_space<hbm>> -> memref<512xi32, #tpu.memory_space<hbm>>
    tpu.enqueue_dma source(%arg9 : memref<512xi32, #tpu.memory_space<vmem>>) target(%dma_start3A_1369 : memref<512xi32, #tpu.memory_space<hbm>>) target_semaphore(%arg13 : memref<!tpu.dma_semaphore, #tpu.memory_space<semaphore_mem>>)
    %dma_start3A_1370 = arith.constant 0 : i32
    %dma_start3A_1371 = tpu.memref_slice %arg5[%arg1, %dma_start3A_1370] : memref<16x512xi32, #tpu.memory_space<hbm>> -> memref<1x512xi32, #tpu.memory_space<hbm>>
    %dma_start3A_1372 = tpu.memref_squeeze %dma_start3A_1371 : memref<1x512xi32, #tpu.memory_space<hbm>> -> memref<512xi32, #tpu.memory_space<hbm>>
    %dma_start3A_1373 = arith.constant 0 : i32
    %dma_start3A_1374 = tpu.memref_slice %arg5[%arg1, %dma_start3A_1373] : memref<16x512xi32, #tpu.memory_space<hbm>> -> memref<1x512xi32, #tpu.memory_space<hbm>>
    %dma_start3A_1375 = tpu.memref_squeeze %dma_start3A_1374 : memref<1x512xi32, #tpu.memory_space<hbm>> -> memref<512xi32, #tpu.memory_space<hbm>>
    tpu.enqueue_dma source(%arg10 : memref<512xi32, #tpu.memory_space<vmem>>) target(%dma_start3A_1375 : memref<512xi32, #tpu.memory_space<hbm>>) target_semaphore(%arg13 : memref<!tpu.dma_semaphore, #tpu.memory_space<semaphore_mem>>)
    %dma_wait3A_1376 = arith.constant 0 : i32
    %dma_wait3A_1377 = tpu.memref_slice %arg6[%arg1, %dma_wait3A_1376] : memref<16x512xi32, #tpu.memory_space<hbm>> -> memref<1x512xi32, #tpu.memory_space<hbm>>
    %dma_wait3A_1378 = tpu.memref_squeeze %dma_wait3A_1377 : memref<1x512xi32, #tpu.memory_space<hbm>> -> memref<512xi32, #tpu.memory_space<hbm>>
    %dma_wait3A_1379 = arith.constant 0 : i32
    %dma_wait3A_1380 = tpu.memref_slice %arg6[%arg1, %dma_wait3A_1379] : memref<16x512xi32, #tpu.memory_space<hbm>> -> memref<1x512xi32, #tpu.memory_space<hbm>>
    %dma_wait3A_1381 = tpu.memref_squeeze %dma_wait3A_1380 : memref<1x512xi32, #tpu.memory_space<hbm>> -> memref<512xi32, #tpu.memory_space<hbm>>
    tpu.wait_dma2 semaphore(%arg13 : memref<!tpu.dma_semaphore, #tpu.memory_space<semaphore_mem>>) src(%arg11 : memref<512xi32, #tpu.memory_space<vmem>>) dst(%dma_wait3A_1381 : memref<512xi32, #tpu.memory_space<hbm>>)
    %dma_wait3A_1382 = arith.constant 0 : i32
    %dma_wait3A_1383 = tpu.memref_slice %arg4[%arg1, %dma_wait3A_1382] : memref<16x512xi32, #tpu.memory_space<hbm>> -> memref<1x512xi32, #tpu.memory_space<hbm>>
    %dma_wait3A_1384 = tpu.memref_squeeze %dma_wait3A_1383 : memref<1x512xi32, #tpu.memory_space<hbm>> -> memref<512xi32, #tpu.memory_space<hbm>>
    %dma_wait3A_1385 = arith.constant 0 : i32
    %dma_wait3A_1386 = tpu.memref_slice %arg4[%arg1, %dma_wait3A_1385] : memref<16x512xi32, #tpu.memory_space<hbm>> -> memref<1x512xi32, #tpu.memory_space<hbm>>
    %dma_wait3A_1387 = tpu.memref_squeeze %dma_wait3A_1386 : memref<1x512xi32, #tpu.memory_space<hbm>> -> memref<512xi32, #tpu.memory_space<hbm>>
    tpu.wait_dma2 semaphore(%arg13 : memref<!tpu.dma_semaphore, #tpu.memory_space<semaphore_mem>>) src(%arg9 : memref<512xi32, #tpu.memory_space<vmem>>) dst(%dma_wait3A_1387 : memref<512xi32, #tpu.memory_space<hbm>>)
    %dma_wait3A_1388 = arith.constant 0 : i32
    %dma_wait3A_1389 = tpu.memref_slice %arg5[%arg1, %dma_wait3A_1388] : memref<16x512xi32, #tpu.memory_space<hbm>> -> memref<1x512xi32, #tpu.memory_space<hbm>>
    %dma_wait3A_1390 = tpu.memref_squeeze %dma_wait3A_1389 : memref<1x512xi32, #tpu.memory_space<hbm>> -> memref<512xi32, #tpu.memory_space<hbm>>
    %dma_wait3A_1391 = arith.constant 0 : i32
    %dma_wait3A_1392 = tpu.memref_slice %arg5[%arg1, %dma_wait3A_1391] : memref<16x512xi32, #tpu.memory_space<hbm>> -> memref<1x512xi32, #tpu.memory_space<hbm>>
    %dma_wait3A_1393 = tpu.memref_squeeze %dma_wait3A_1392 : memref<1x512xi32, #tpu.memory_space<hbm>> -> memref<512xi32, #tpu.memory_space<hbm>>
    tpu.wait_dma2 semaphore(%arg13 : memref<!tpu.dma_semaphore, #tpu.memory_space<semaphore_mem>>) src(%arg10 : memref<512xi32, #tpu.memory_space<vmem>>) dst(%dma_wait3A_1393 : memref<512xi32, #tpu.memory_space<hbm>>)
    return
  }
}

</mosaic_0001>

<sc_bundles>
// kernel: _pack.3.cloned.1.call-start
scs
__scs_entry_jumppad:
0x0: {  	(pc) =	sbr.rel $0x88, $3  }
0x1: {  	(tag) =	ssettag $0x0;
	lr =	simm.s32 $0x1  }
0x2: {  	[smem:$0x3F9F] =	sst lr;
	_ =	strace $0xD0000000  }
0x3: {  	_ = 	snop  }
0x4: {  	_ = 	snop  }
0x5: {  	_ = 	snop  }
0x6: {  	_ = 	snop  }
0x7: {  	_ = 	snop  }
__scs_overlays_trampoline_lowered:
0x8: {  	[smem:$0x3FAE] =	sst s0  }
0x9: {  	[smem:$0x3FAF] =	sst s1  }
0xa: {  	[smem:$0x3FB0] =	sst s2  }
0xb: {  	[smem:$0x3FB1] =	sst s3  }
0xc: {  	[smem:$0x3FB2] =	sst s4  }
0xd: {  	[smem:$0x3FB3] =	sst s5  }
0xe: {  	[smem:$0x3FB4] =	sst s6  }
0xf: {  	[smem:$0x3FB5] =	sst s7  }
0x10: {  	[smem:$0x3FB6] =	sst s8  }
0x11: {  	[smem:$0x3FB7] =	sst s9;
	s0 =	simm.s32 @!p0 $0x0  }
0x12: {  	s1 =	sld [smem:$0x3F9D];
	s0 =	simm.s32 @p0 $0x1  }
0x13: {  	[smem:$0x3FB8] =	sst s0;
	s0 =	simm.s32 @!p1 $0x0  }
0x14: {  	s2 =	sld [smem:$0x3F9C];
	s0 =	simm.s32 @p1 $0x1  }
0x15: {  	[smem:$0x3FB9] =	sst s0;
	s0 =	simm.s32 @!p2 $0x0  }
0x16: {  	s3 =	sld [smem:$0x3FDB];
	s0 =	simm.s32 @p2 $0x1  }
0x17: {  	s4 =	simm.s32 $0x1BF5;
	[smem:$0x3FBB] =	sst s0  }
0x18: {  	s0 =	sld [smem:$0x3F9E];
	_ =	swait.ge [sflag:s4], $0x0  }
0x19: {  	s7 =	sld [smem:$0x3F9F]  }
0x1a: {  	s8 =	sadd.s32 $0xFFFFE003, lr  }
0x1b: {  	s9 =	sadd.s32 $0xFFFFFEF7, lr;
	s5 =	simm.s32 $0xFFFFFFFF;
	p2 =	slt.u32 s8, $0xFFFFF086  }
0x1c: {  	p1 =	slt.u32 s9, $0xF7A;
	s5 =	simm.s32 @!p2 $0x0  }
0x1d: {  	s5 =	simm.s32 @p1 $0x1;
	p0 =	seq.s32 s7, s2  }
0x1e: {  	s7 =	smul.u32 @!p0 $0xF7A, s2;
	p2 =	seq.s32 @!p0 s5, $0x0  }
0x1f: {  	s9 =	smul.u32 $0xF7A, s1;
	s8 =	simm.s32 @!p0 $0x1BF5;
	p2 =	por !p2, p0  }
0x20: {  	[sflag:s8] =	ssyncset.s32 @!p0 $0xFFFFF086;
	s6 =	sadd.s32 @!p0 s3, s7;
	s7 =	simm.s32 @!p0 $0x108  }
0x21: {  	s3 =	sadd.s32 s3, s9;
	s6 =	sadd.s32 @!p0 $0x88, s6;
	s7 =	simm.s32 @p2 $0x1082  }
0x22: {  	[simem:s7], [sflag:s8] =	dma.local @!p0 [hbm:s6], $0xF7A  }
0x23: {  	s9 =	sor.u32 $0xD0000000, s2;
	s6 =	simm.s32 $0x108;
	_ =	swait.ge @!p0 [sflag:s8], $0x0  }
0x24: {  	s3 =	sadd.s32 $0x88, s3;
	s6 =	simm.s32 @!p1 $0x1082;
	[sflag:s4] =	ssyncset.s32 $0xFFFFF086  }
0x25: {  	[simem:s6], [sflag:s4] =	dma.local [hbm:s3], $0xF7A  }
0x26: {  	[smem:$0x3F9F] =	sst s1;
	(tag) =	ssettag s2;
	_ =	strace s9  }
0x27: {  	s1 =	sld [smem:$0x3FAF]  }
0x28: {  	s2 =	sld [smem:$0x3FB0]  }
0x29: {  	s4 =	sld [smem:$0x3FB2]  }
0x2a: {  	p0 =	seq.s32 s5, $0x0;
	s5 =	sld [smem:$0x3FB3]  }
0x2b: {  	s6 =	sld [smem:$0x3FB4]  }
0x2c: {  	s7 =	sld [smem:$0x3FB5]  }
0x2d: {  	s3 =	simm.s32 $0x108;
	s8 =	sld [smem:$0x3FB6]  }
0x2e: {  	s3 =	simm.s32 @!p0 $0x1082;
	s9 =	sld [smem:$0x3FB7]  }
0x2f: {  	lr =	sadd.s32 s0, s3;
	s0 =	sld [smem:$0x3FAE]  }
0x30: {  	s3 =	sld [smem:$0x3FB1]  }
0x31: {  	[smem:$0x3FBA] =	sst s10  }
0x32: {  	s10 =	sld [smem:$0x3FB8];
	_ =	sdelay $0x3  }
0x33: {  	p0 =	seq.s32 s10, $0x1;
	s10 =	sld [smem:$0x3FBA];
	_ =	sdelay $0x3  }
0x34: {  	[smem:$0x3FBA] =	sst s10  }
0x35: {  	s10 =	sld [smem:$0x3FB9];
	_ =	sdelay $0x3  }
0x36: {  	p1 =	seq.s32 s10, $0x1;
	s10 =	sld [smem:$0x3FBA];
	_ =	sdelay $0x3  }
0x37: {  	[smem:$0x3FBA] =	sst s10  }
0x38: {  	s10 =	sld [smem:$0x3FBB]  }
0x39: {  	_ = 	snop;
	(pc) =	sbr.ind lr, $3  }
0x3a: {  	_ = 	snop  }
0x3b: {  	_ = 	snop  }
0x3c: {  	p2 =	seq.s32 s10, $0x1;
	s10 =	sld [smem:$0x3FBA]  }
0x3d: {  	_ =	shalt  }
0x3e: {  	_ =	shalt  }
0x3f: {  	_ =	shalt  }
0x40: {  	_ =	shalt  }
0x41: {  	_ =	shalt  }
0x42: {  	_ =	shalt  }
0x43: {  	_ =	shalt  }
0x44: {  	_ =	shalt  }
0x45: {  	_ =	shalt  }
0x46: {  	_ =	shalt  }
0x47: {  	_ =	shalt  }
0x48: {  	_ =	shalt  }
0x49: {  	_ =	shalt  }
0x4a: {  	_ =	shalt  }
0x4b: {  	_ =	shalt  }
0x4c: {  	_ =	shalt  }
0x4d: {  	_ =	shalt  }
0x4e: {  	_ =	shalt  }
0x4f: {  	_ =	shalt  }
0x50: {  	_ =	shalt  }
0x51: {  	_ =	shalt  }
0x52: {  	_ =	shalt  }
0x53: {  	_ =	shalt  }
0x54: {  	_ =	shalt  }
0x55: {  	_ =	shalt  }
0x56: {  	_ =	shalt  }
0x57: {  	_ =	shalt  }
0x58: {  	_ =	shalt  }
0x59: {  	_ =	shalt  }
0x5a: {  	_ =	shalt  }
0x5b: {  	_ =	shalt  }
0x5c: {  	_ =	shalt  }
0x5d: {  	_ =	shalt  }
0x5e: {  	_ =	shalt  }
0x5f: {  	_ =	shalt  }
0x60: {  	_ =	shalt  }
0x61: {  	_ =	shalt  }
0x62: {  	_ =	shalt  }
0x63: {  	_ =	shalt  }
0x64: {  	_ =	shalt  }
0x65: {  	_ =	shalt  }
0x66: {  	_ =	shalt  }
0x67: {  	_ =	shalt  }
0x68: {  	_ =	shalt  }
0x69: {  	_ =	shalt  }
0x6a: {  	_ =	shalt  }
0x6b: {  	_ =	shalt  }
0x6c: {  	_ =	shalt  }
0x6d: {  	_ =	shalt  }
0x6e: {  	_ =	shalt  }
0x6f: {  	_ =	shalt  }
0x70: {  	_ =	shalt  }
0x71: {  	_ =	shalt  }
0x72: {  	_ =	shalt  }
0x73: {  	_ =	shalt  }
0x74: {  	_ =	shalt  }
0x75: {  	_ =	shalt  }
0x76: {  	_ =	shalt  }
0x77: {  	_ =	shalt  }
0x78: {  	_ =	shalt  }
0x79: {  	_ =	shalt  }
0x7a: {  	_ =	shalt  }
0x7b: {  	_ =	shalt  }
0x7c: {  	_ =	shalt  }
0x7d: {  	_ =	shalt  }
0x7e: {  	_ =	shalt  }
0x7f: {  	_ =	shalt  }
0x80: {  	_ =	shalt  }
0x81: {  	_ =	shalt  }
0x82: {  	_ =	shalt  }
0x83: {  	_ =	shalt  }
0x84: {  	_ =	shalt  }
0x85: {  	_ =	shalt  }
0x86: {  	_ =	shalt  }
0x87: {  	_ =	shalt  }
.Lfunc_end0:
.L_simem_size_0:
called_computation_lowered:
.L_overlay_start_0:
0x88: {  	s0 =	sld [smem:$0x3FD9]  }
0x89: {  	s1 =	sld [smem:$0x3FFE];
	_ =	sdelay $0x3  }
0x8a: {  	s0 =	sadd.s32 s1, s0  }
0x8b: {  	[smem:$0x3FC6] =	sst s0  }
0x8c: {  	_ = 	snop  }
0x8d: {  	s0 =	sld [smem:$0x3FD0];
	_ =	sdelay $0x1  }
0x8e: {  	s14 =	sld [smem:$0x3FC9]  }
0x8f: {  	s3 =	simm.s32 $0xA;
	s4 =	simm.s32 $0x10;
	s2 =	sld [smem:$0x3FC8]  }
0x90: {  	[smem:s4], [sflag:s3] =	dma.local [hbm:s0], $0x1  }
0x91: {  	_ =	swait.eq [sflag:s3], $0x1  }
0x92: {  	s15 =	sld [smem:$0x10];
	[sflag:s3] =	ssyncset.done $0x0  }
0x93: {  	s16 =	sld [smem:$0x11];
	[sflag:s3] =	ssyncadd.s32 $0xFFFFFFFF  }
0x94: {  	s17 =	sld [smem:$0x12];
	(tm) =	ssettm $0x1  }
0x95: {  	s5 =	sld [smem:$0x3FFB];
	_ =	sdelay $0x3  }
0x96: {  	_ =	strace s5  }
0x97: {  	s5 =	sld [smem:$0x3FFC];
	_ =	sdelay $0x3  }
0x98: {  	_ =	strace s5  }
0x99: {  	s5 =	sld [smem:$0x3FFD];
	_ =	sdelay $0x3  }
0x9a: {  	_ =	strace s5  }
0x9b: {  	_ =	strace $0x8FFFFFFF  }
0x9c: {  	s18 =	sld [smem:$0x3FDB];
	_ =	sdelay $0x1  }
0x9d: {  	s6 =	simm.s32 $_scs_section_size  }
0x9e: {  	s7 =	simm.s32 $_size__tile_overlayer_lowered;
	s8 =	simm.s32 $_tile_overlayer_lowered  }
0x9f: {  	s21 =	simm.s32 $0x1BFF;
	s20 =	sshll.u32 s8, $0x1;
	s5 =	sadd.s32 s6, s18  }
0xa0: {  	s9 =	simm.s32 $0x0;
	s19 =	sshll.u32 s7, $0x1;
	s7 =	sadd.s32 s20, s5  }
0xa1: {  	[timem:s9], [sflag:s21] =	dma.local [hbm:s7], s19  }
0xa2: {  	_ =	swait.ge [sflag:s21], s19  }
0xa3: {  	s6 =	ssub.s32 $0x0, s19;
	[sflag:s21] =	ssyncset.done $0x0  }
0xa4: {  	[sflag:s21] =	ssyncadd.s32 s6;
	_ =	sdelay $0x1  }
0xa5: {  	s22 =	simm.s32 $0x1B8B  }
0xa6: {  	_ =	swait.ge [sflag:s22], $0x1  }
0xa7: {  	[sflag:s22] =	ssyncset.done $0x0  }
0xa8: {  	s23 =	simm.s32 $0x1B8E;
	[sflag:s22] =	ssyncadd.s32 $0xFFFFFFFF  }
0xa9: {  	s24 =	simm.s32 $execute0_lowered;
	[smem:$0x3FD2] =	sst s23  }
0xaa: {  	s6 =	sshll.u32 s24, $0x1;
	_ =	strace $0x80000046;
	[dreg:$0x1] =	wrdreg $0xFFFFFFFF  }
0xab: {  	s25 =	simm.s32 $_size_execute0_lowered;
	s5 =	sadd.s32 s5, s6;
	[dreg:$0x0] =	wrdreg $0x0  }
0xac: {  	s6 =	sshll.u32 s25, $0x1;
	[dreg:$0x2] =	wrdreg s5  }
0xad: {  	[dreg:$0x3] =	wrdreg s6  }
0xae: {  	[dreg:$0x4] =	wrdreg $0xC0  }
0xaf: {  	_ =	task [dreg:s9], $0x5FFFF  }
0xb0: {  	[dreg:$0x1] =	wrdreg $0xFFFFFFFF  }
0xb1: {  	[dreg:$0x0] =	wrdreg $0x60  }
0xb2: {  	[dreg:$0x2] =	wrdreg s14  }
0xb3: {  	[dreg:$0x3] =	wrdreg s2  }
0xb4: {  	[dreg:$0x4] =	wrdreg s15  }
0xb5: {  	[dreg:$0x5] =	wrdreg s16  }
0xb6: {  	[dreg:$0x6] =	wrdreg s17  }
0xb7: {  	[dreg:$0x7] =	wrdreg $0x9  }
0xb8: {  	_ =	task.clear_ibuf [dreg:s9], $0x8FFFF;
	_ =	strace $0x90000046  }
0xb9: {  	s26 =	simm.s32 $0x9;
	_ =	strace $0x80000048  }
0xba: {  	_ =	swait.ge [sflag:s26], $0x1  }
0xbb: {  	[sflag:s26] =	ssyncadd.s32 $0xFFFFFFFF  }
0xbc: {  	_ =	strace $0x90000048  }
0xbd: {  	_ =	sfence  }
0xbe: {  	s28 =	sld [smem:$0x0];
	_ =	sdelay $0x1  }
0xbf: {  	s29 =	srdreg.scid  }
0xc0: {  	s30 =	sshll.u32 s29, $0xD;
	s31 =	sshrl.u32 s29, $0x2  }
0xc1: {  	s1 =	sand.u32 $0x1, s29;
	s2 =	sand.u32 $0x4000, s30;
	s0 =	sadd.s32 s31, s28  }
0xc2: {  	s1 =	sor.u32 s2, s1;
	s0 =	sshll.u32 s0, $0x11  }
0xc3: {  	s0 =	sor.u32 s0, s1  }
0xc4: {  	s0 =	sadd.s32 $0x8F2B, s0  }
0xc5: {  	[sflag:s0] =	ssyncadd.remote.s32 $0x1  }
0xc6: {  	_ =	sfence.sel $0xFFFF  }
0xc7: {  	[dreg:$0x0] =	wrdreg $0xFFFFFFFF;
	(pc) =	sbr.abs _section_cstart, $3  }
0xc8: {  	[dreg:$0x1] =	wrdreg $0xFFFFFFFF  }
0xc9: {  	_ =	task.clear_ibuf [dreg:s9], $0x2FFFF;
	_ =	strace $0x9FFFFFFF  }
0xca: {  	(tm) =	ssettm $0x7FFFFFFF  }
0xcb: {  	_ =	shalt  }
tec
execute0_lowered:
.L_overlay_start_1:
0x0: {  	(tag) =	ssettag $0x1  }
0x1: {  	s8 =	rddreg [dreg:$0x0]  }
0x2: {  	s3 =	rddreg [dreg:$0x1]  }
0x3: {  	s2 =	rddreg [dreg:$0x2]  }
0x4: {  	s1 =	rddreg [dreg:$0x3]  }
0x5: {  	s5 =	rddreg [dreg:$0x4];
	s9 =	simm.s32 $0x0  }
0x6: {  	[smem:$0x7FF] =	sst s9  }
0x7: {  	s0 =	rddreg [dreg:$0x5];
	_ =	strace $0x80000047  }
0x8: {  	[tilespmem:s9], [sflag:$0x1] =	stream.linear.gather [hbm4b:s3+s9], $0x10, $0x38;
	[tilespmem:$0x900] =	vst v63  }
0x9: {  	s4 =	simm.s32 $0x10;
	s3 =	sadd.s32 $0x2, s3  }
0xa: {  	v0 =	vimm.s32 $0x0;
	[tilespmem:s4], [sflag:$0x1] =	stream.linear.gather [hbm4b:s3+s9], $0x1, $0x38;
	[tilespmem:$0x900] =	vst v63  }
0xb: {  	[tilespmem:$0x700] =	vst v0  }
0xc: {  	[tilespmem:$0x710] =	vst v0  }
0xd: {  	[tilespmem:$0x720] =	vst v0  }
0xe: {  	[tilespmem:$0x730] =	vst v0  }
0xf: {  	[tilespmem:$0x740] =	vst v0  }
0x10: {  	[tilespmem:$0x750] =	vst v0  }
0x11: {  	[tilespmem:$0x760] =	vst v0  }
0x12: {  	[tilespmem:$0x770] =	vst v0  }
0x13: {  	[tilespmem:$0x780] =	vst v0  }
0x14: {  	[tilespmem:$0x790] =	vst v0  }
0x15: {  	[tilespmem:$0x7A0] =	vst v0  }
0x16: {  	[tilespmem:$0x7B0] =	vst v0  }
0x17: {  	[tilespmem:$0x7C0] =	vst v0  }
0x18: {  	[tilespmem:$0x7D0] =	vst v0  }
0x19: {  	[tilespmem:$0x7E0] =	vst v0  }
0x1a: {  	[tilespmem:$0x7F0] =	vst v0  }
0x1b: {  	[tilespmem:$0x800] =	vst v0  }
0x1c: {  	[tilespmem:$0x810] =	vst v0  }
0x1d: {  	[tilespmem:$0x820] =	vst v0  }
0x1e: {  	[tilespmem:$0x830] =	vst v0  }
0x1f: {  	[tilespmem:$0x840] =	vst v0  }
0x20: {  	[tilespmem:$0x850] =	vst v0  }
0x21: {  	[tilespmem:$0x860] =	vst v0  }
0x22: {  	[tilespmem:$0x870] =	vst v0  }
0x23: {  	[tilespmem:$0x880] =	vst v0  }
0x24: {  	[tilespmem:$0x890] =	vst v0  }
0x25: {  	[tilespmem:$0x8A0] =	vst v0  }
0x26: {  	s3 =	stileid.u32;
	[tilespmem:$0x8B0] =	vst v0  }
0x27: {  	s13 =	sshll.u32 s3, $0x6;
	s6 =	sshll.u32 s3, $0x4;
	[tilespmem:$0x8C0] =	vst v0  }
0x28: {  	[tilespmem:$0x8D0] =	vst v0;
	s4 =	sand.u32 $0x200, s13;
	s6 =	sand.u32 $0x70, s6  }
0x29: {  	s10 =	simm.s32 $0x700;
	s14 =	simm.s32 $0x1;
	[tilespmem:$0x8E0] =	vst v0;
	s4 =	sor.u32 s6, s4  }
0x2a: {  	[tilespmem:$0x8F0] =	vst v0;
	s6 =	simm.s32 $0x400;
	s7 =	sadd.s32 s5, s4;
	s5 =	simm.s32 $0x80  }
0x2b: {  	[hbm4b:s7+s5] =	stream.strided.scatter [tilespmem:s10], [sflag:$0x2], $0x200, s6, s5, $0x38;
	[tilespmem:$0x900] =	vst v63  }
0x2c: {  	_ =	swait.ge [sflag:s14], $0x10  }
0x2d: {  	[sflag:s14] =	ssyncset.done $0x0  }
0x2e: {  	[sflag:s14] =	ssyncadd.s32 $0xFFFFFFF0  }
0x2f: {  	_ =	swait.ge [sflag:s14], $0x1  }
0x30: {  	[sflag:s14] =	ssyncset.done $0x0  }
0x31: {  	[sflag:s14] =	ssyncadd.s32 $0xFFFFFFFF  }
0x32: {  	v2 =	vld [tilespmem:$0x0];
	_ =	sdelay $0x2  }
0x33: {  	v1 =	vlaneseq.u32;
	v3 =	vmov s3  }
0x34: {  	vm0 =	veq.s32 v3, v1  }
0x35: {  	v3 =	vnsel vm0, $0x0, v2  }
0x36: {  	(xrf0) =	vadd.scan.msk.s32 $0xffff, v3;
	_ =	sdelay $0x3  }
0x37: {  	v40 =	vld [tilespmem:$0x10]  }
0x38: {  	s15 =	sadd.s32 $0x1, s3  }
0x39: {  	v4 =	vmov s15;
	v5, _, _ =	vpop (xrf0)  }
0x3a: {  	v6 =	vor.u32 $0x10, v1;
	vm6 =	veq.s32 v4, v1;
	(v2sf) =	vpush v5, $0xF  }
0x3b: {  	vm7 =	veq.s32 v4, v6;
	v2 =	vnsel vm6, $0x0, v2  }
0x3c: {  	v41 =	vnsel vm7, $0x0, v40;
	(xrf0) =	vadd.scan.msk.s32 $0xffff, v2  }
0x3d: {  	(xrf0) =	vadd.scan.msk.s32 $0xffff, v41;
	_ =	sdelay $0x4  }
0x3e: {  	v42, _, _ =	vpop (xrf0)  }
0x3f: {  	(v2sf) =	vpush v42, $0xF;
	v43, _, _ =	vpop (xrf0)  }
0x40: {  	(v2sf) =	vpush v43, $0xF;
	_ =	sdelay $0x4  }
0x41: {  	s16 =	spop (v2sf)  }
0x42: {  	s7 =	sadd.s32 $0xFFFFFFF8, s16  }
0x43: {  	p0 =	sgt.s32 s7, $0x0  }
0x44: {  	s7 =	simm.s32 @!p0 $0x0  }
0x45: {  	s7 =	sand.u32 $0x7FFFFFF8, s7  }
0x46: {  	s11 =	smin.u32 s7, $0x7DF0  }
0x47: {  	v2 =	vadd.s32 $0xFFFFFFFF, v1;
	s7 =	ssub.s32 s16, s11  }
0x48: {  	v44 =	vadd.s32 s7, v2  }
0x49: {  	vm8 =	vgt.s32 v44, $0x0  }
0x4a: {  	s11 =	sshrl.u32 s11, $0x3;
	s12 =	spop (v2sf);
	v3 =	vnsel vm8, $0x0, v44  }
0x4b: {  	s18 =	simm.s32 $0x3;
	s8 =	sadd.s32 s8, s11;
	s17 =	spop (v2sf);
	v3 =	vmin.u32 v3, $0x20F  }
0x4c: {  	[tilespmem:s5], [sflag:$0x3] =	stream.linear.gather [hbm4b:s8+s9], $0x210, $0x38;
	[tilespmem:$0x900] =	vst v63  }
0x4d: {  	s10 =	ssub.s32 s12, s16;
	_ =	swait.ge [sflag:s18], $0x210  }
0x4e: {  	s8 =	sadd.s32 s17, s10;
	[sflag:s18] =	ssyncset.done $0x0  }
0x4f: {  	s19 =	sadd.s32 $0x10, s7;
	p0 =	slt.s32 s8, $0x1FE;
	[sflag:s18] =	ssyncadd.s32 $0xFFFFFDF0  }
0x50: {  	v8 =	vadd.s32 s19, v2;
	s8 =	simm.s32 @!p0 $0x1FE;
	v7 =	vld.idx.msk [tilespmem:v3+s5+$0x0], $0xffff  }
0x51: {  	vm9 =	vgt.s32 v8, $0x0;
	s20 =	sadd.s32 $0x1, s8  }
0x52: {  	v5 =	vimm.s32 $0x1;
	v8 =	vnsel vm9, $0x0, v8;
	v3 =	vmov s20  }
0x53: {  	v4 =	vmov s8;
	v8 =	vmin.u32 v8, $0x20F;
	vm1 =	veq.s32 v3, v1  }
0x54: {  	vm10 =	vgt.s32 v4, v2;
	vm12 =	vgt.s32 v3, v2;
	v9 =	vsel vm1, $0x2, v5  }
0x55: {  	vm11 =	veq.s32 v1, $0x0;
	v45 =	vsel vm12, $0x1, v0;
	v7 =	vsel vm10, v7, v9  }
0x56: {  	s21 =	sadd.s32 $0x20, s7;
	[tilespmem:$0x500] =	vst v45;
	v7 =	vsel vm11, $0x0, v7  }
0x57: {  	v46 =	vadd.s32 s21, v2;
	[tilespmem:$0x300] =	vst v7  }
0x58: {  	vm13 =	vgt.s32 v46, $0x0;
	v7 =	vld.idx.msk [tilespmem:v8+s5+$0x0], $0xffff  }
0x59: {  	v8 =	vnsel vm13, $0x0, v46  }
0x5a: {  	v47 =	vadd.s32 $0xF, v1;
	v48 =	vmin.u32 v8, $0x20F  }
0x5b: {  	vm14 =	veq.s32 v3, v6;
	vm4 =	vgt.s32 v3, v47  }
0x5c: {  	vm15 =	vgt.s32 v4, v47;
	v49 =	vsel vm14, $0x2, v5;
	v50 =	vsel vm4, $0x1, v0  }
0x5d: {  	s22 =	sadd.s32 $0x30, s7;
	[tilespmem:$0x510] =	vst v50;
	v7 =	vsel vm15, v7, v49  }
0x5e: {  	v51 =	vadd.s32 s22, v2;
	[tilespmem:$0x310] =	vst v7  }
0x5f: {  	vm5 =	vgt.s32 v51, $0x0;
	v6 =	vld.idx.msk [tilespmem:v48+s5+$0x0], $0xffff  }
0x60: {  	v7 =	vnsel vm5, $0x0, v51  }
0x61: {  	v52 =	vor.u32 $0x20, v1;
	v53 =	vadd.s32 $0x1F, v1;
	v7 =	vmin.u32 v7, $0x20F  }
0x62: {  	vm6 =	veq.s32 v3, v52;
	vm8 =	vgt.s32 v3, v53  }
0x63: {  	vm7 =	vgt.s32 v4, v53;
	v54 =	vsel vm8, $0x1, v0;
	v8 =	vsel vm6, $0x2, v5  }
0x64: {  	s23 =	sadd.s32 $0x40, s7;
	[tilespmem:$0x520] =	vst v54;
	v6 =	vsel vm7, v6, v8  }
0x65: {  	v55 =	vadd.s32 s23, v2;
	[tilespmem:$0x320] =	vst v6  }
0x66: {  	vm9 =	vgt.s32 v55, $0x0;
	v6 =	vld.idx.msk [tilespmem:v7+s5+$0x0], $0xffff  }
0x67: {  	v7 =	vnsel vm9, $0x0, v55  }
0x68: {  	v56 =	vor.u32 $0x30, v1;
	v57 =	vadd.s32 $0x2F, v1;
	v7 =	vmin.u32 v7, $0x20F  }
0x69: {  	vm12 =	vgt.s32 v3, v57;
	vm10 =	veq.s32 v3, v56  }
0x6a: {  	v58 =	vsel vm12, $0x1, v0;
	vm11 =	vgt.s32 v4, v57;
	v8 =	vsel vm10, $0x2, v5  }
0x6b: {  	s24 =	sadd.s32 $0x50, s7;
	[tilespmem:$0x530] =	vst v58;
	v6 =	vsel vm11, v6, v8  }
0x6c: {  	v59 =	vadd.s32 s24, v2;
	[tilespmem:$0x330] =	vst v6  }
0x6d: {  	vm13 =	vgt.s32 v59, $0x0;
	v6 =	vld.idx.msk [tilespmem:v7+s5+$0x0], $0xffff  }
0x6e: {  	v7 =	vnsel vm13, $0x0, v59  }
0x6f: {  	v60 =	vor.u32 $0x40, v1;
	v61 =	vadd.s32 $0x3F, v1;
	v7 =	vmin.u32 v7, $0x20F  }
0x70: {  	vm14 =	veq.s32 v3, v60;
	vm4 =	vgt.s32 v3, v61  }
0x71: {  	v62 =	vsel vm4, $0x1, v0;
	vm15 =	vgt.s32 v4, v61;
	v8 =	vsel vm14, $0x2, v5  }
0x72: {  	s25 =	sadd.s32 $0x60, s7;
	[tilespmem:$0x540] =	vst v62;
	v6 =	vsel vm15, v6, v8  }
0x73: {  	v63 =	vadd.s32 s25, v2;
	[tilespmem:$0x340] =	vst v6  }
0x74: {  	vm5 =	vgt.s32 v63, $0x0;
	v6 =	vld.idx.msk [tilespmem:v7+s5+$0x0], $0xffff  }
0x75: {  	v7 =	vnsel vm5, $0x0, v63  }
0x76: {  	v12 =	vor.u32 $0x50, v1;
	v13 =	vadd.s32 $0x4F, v1;
	v7 =	vmin.u32 v7, $0x20F  }
0x77: {  	vm8 =	vgt.s32 v3, v13;
	vm6 =	veq.s32 v3, v12  }
0x78: {  	v14 =	vsel vm8, $0x1, v0;
	vm7 =	vgt.s32 v4, v13;
	v8 =	vsel vm6, $0x2, v5  }
0x79: {  	s26 =	sadd.s32 $0x70, s7;
	[tilespmem:$0x550] =	vst v14;
	v6 =	vsel vm7, v6, v8  }
0x7a: {  	v15 =	vadd.s32 s26, v2;
	[tilespmem:$0x350] =	vst v6  }
0x7b: {  	vm9 =	vgt.s32 v15, $0x0;
	v6 =	vld.idx.msk [tilespmem:v7+s5+$0x0], $0xffff  }
0x7c: {  	v7 =	vnsel vm9, $0x0, v15  }
0x7d: {  	v16 =	vor.u32 $0x60, v1;
	v17 =	vadd.s32 $0x5F, v1;
	v7 =	vmin.u32 v7, $0x20F  }
0x7e: {  	vm12 =	vgt.s32 v3, v17;
	vm10 =	veq.s32 v3, v16  }
0x7f: {  	v18 =	vsel vm12, $0x1, v0;
	vm11 =	vgt.s32 v4, v17;
	v8 =	vsel vm10, $0x2, v5  }
0x80: {  	s28 =	sadd.s32 $0x80, s7;
	[tilespmem:$0x560] =	vst v18;
	v6 =	vsel vm11, v6, v8  }
0x81: {  	v19 =	vadd.s32 s28, v2;
	[tilespmem:$0x360] =	vst v6  }
0x82: {  	vm13 =	vgt.s32 v19, $0x0;
	v6 =	vld.idx.msk [tilespmem:v7+s5+$0x0], $0xffff  }
0x83: {  	v7 =	vnsel vm13, $0x0, v19  }
0x84: {  	v20 =	vor.u32 $0x70, v1;
	v21 =	vadd.s32 $0x6F, v1;
	v7 =	vmin.u32 v7, $0x20F  }
0x85: {  	vm4 =	vgt.s32 v3, v21;
	vm14 =	veq.s32 v3, v20  }
0x86: {  	v22 =	vsel vm4, $0x1, v0;
	vm15 =	vgt.s32 v4, v21;
	v8 =	vsel vm14, $0x2, v5  }
0x87: {  	s29 =	sadd.s32 $0x90, s7;
	[tilespmem:$0x570] =	vst v22;
	v6 =	vsel vm15, v6, v8  }
0x88: {  	v23 =	vadd.s32 s29, v2;
	[tilespmem:$0x370] =	vst v6  }
0x89: {  	vm5 =	vgt.s32 v23, $0x0;
	v6 =	vld.idx.msk [tilespmem:v7+s5+$0x0], $0xffff  }
0x8a: {  	v7 =	vnsel vm5, $0x0, v23  }
0x8b: {  	v24 =	vor.u32 $0x80, v1;
	v25 =	vadd.s32 $0x7F, v1;
	v7 =	vmin.u32 v7, $0x20F  }
0x8c: {  	vm8 =	vgt.s32 v3, v25;
	vm6 =	veq.s32 v3, v24  }
0x8d: {  	v26 =	vsel vm8, $0x1, v0;
	vm7 =	vgt.s32 v4, v25;
	v8 =	vsel vm6, $0x2, v5  }
0x8e: {  	s30 =	sadd.s32 $0xA0, s7;
	[tilespmem:$0x580] =	vst v26;
	v6 =	vsel vm7, v6, v8  }
0x8f: {  	v27 =	vadd.s32 s30, v2;
	[tilespmem:$0x380] =	vst v6  }
0x90: {  	vm9 =	vgt.s32 v27, $0x0;
	v6 =	vld.idx.msk [tilespmem:v7+s5+$0x0], $0xffff  }
0x91: {  	v7 =	vnsel vm9, $0x0, v27  }
0x92: {  	v28 =	vor.u32 $0x90, v1;
	v29 =	vadd.s32 $0x8F, v1;
	v7 =	vmin.u32 v7, $0x20F  }
0x93: {  	vm12 =	vgt.s32 v3, v29;
	vm10 =	veq.s32 v3, v28  }
0x94: {  	v30 =	vsel vm12, $0x1, v0;
	vm11 =	vgt.s32 v4, v29;
	v8 =	vsel vm10, $0x2, v5  }
0x95: {  	s31 =	sadd.s32 $0xB0, s7;
	[tilespmem:$0x590] =	vst v30;
	v6 =	vsel vm11, v6, v8  }
0x96: {  	v31 =	vadd.s32 s31, v2;
	[tilespmem:$0x390] =	vst v6  }
0x97: {  	vm13 =	vgt.s32 v31, $0x0;
	v6 =	vld.idx.msk [tilespmem:v7+s5+$0x0], $0xffff  }
0x98: {  	v7 =	vnsel vm13, $0x0, v31  }
0x99: {  	v32 =	vor.u32 $0xA0, v1;
	v33 =	vadd.s32 $0x9F, v1;
	v7 =	vmin.u32 v7, $0x20F  }
0x9a: {  	vm4 =	vgt.s32 v3, v33;
	vm14 =	veq.s32 v3, v32  }
0x9b: {  	v34 =	vsel vm4, $0x1, v0;
	vm15 =	vgt.s32 v4, v33;
	v8 =	vsel vm14, $0x2, v5  }
0x9c: {  	s9 =	sadd.s32 $0xC0, s7;
	[tilespmem:$0x5A0] =	vst v34;
	v6 =	vsel vm15, v6, v8  }
0x9d: {  	v35 =	vadd.s32 s9, v2;
	[tilespmem:$0x3A0] =	vst v6  }
0x9e: {  	vm5 =	vgt.s32 v35, $0x0;
	v6 =	vld.idx.msk [tilespmem:v7+s5+$0x0], $0xffff  }
0x9f: {  	v7 =	vnsel vm5, $0x0, v35  }
0xa0: {  	v36 =	vor.u32 $0xB0, v1;
	v37 =	vadd.s32 $0xAF, v1;
	v7 =	vmin.u32 v7, $0x20F  }
0xa1: {  	vm8 =	vgt.s32 v3, v37;
	vm6 =	veq.s32 v3, v36  }
0xa2: {  	v38 =	vsel vm8, $0x1, v0;
	vm7 =	vgt.s32 v4, v37;
	v8 =	vsel vm6, $0x2, v5  }
0xa3: {  	s10 =	sadd.s32 $0xD0, s7;
	[tilespmem:$0x5B0] =	vst v38;
	v6 =	vsel vm7, v6, v8  }
0xa4: {  	v39 =	vadd.s32 s10, v2;
	[tilespmem:$0x3B0] =	vst v6  }
0xa5: {  	vm9 =	vgt.s32 v39, $0x0;
	v6 =	vld.idx.msk [tilespmem:v7+s5+$0x0], $0xffff  }
0xa6: {  	v7 =	vnsel vm9, $0x0, v39  }
0xa7: {  	v40 =	vor.u32 $0xC0, v1;
	v41 =	vadd.s32 $0xBF, v1;
	v7 =	vmin.u32 v7, $0x20F  }
0xa8: {  	vm12 =	vgt.s32 v3, v41;
	vm10 =	veq.s32 v3, v40  }
0xa9: {  	v42 =	vsel vm12, $0x1, v0;
	vm11 =	vgt.s32 v4, v41;
	v8 =	vsel vm10, $0x2, v5  }
0xaa: {  	s11 =	sadd.s32 $0xE0, s7;
	[tilespmem:$0x5C0] =	vst v42;
	v6 =	vsel vm11, v6, v8  }
0xab: {  	v43 =	vadd.s32 s11, v2;
	[tilespmem:$0x3C0] =	vst v6  }
0xac: {  	vm13 =	vgt.s32 v43, $0x0;
	v6 =	vld.idx.msk [tilespmem:v7+s5+$0x0], $0xffff  }
0xad: {  	v7 =	vnsel vm13, $0x0, v43  }
0xae: {  	v44 =	vor.u32 $0xD0, v1;
	v45 =	vadd.s32 $0xCF, v1;
	v7 =	vmin.u32 v7, $0x20F  }
0xaf: {  	vm4 =	vgt.s32 v3, v45;
	vm14 =	veq.s32 v3, v44  }
0xb0: {  	v46 =	vsel vm4, $0x1, v0;
	vm15 =	vgt.s32 v4, v45;
	v8 =	vsel vm14, $0x2, v5  }
0xb1: {  	s12 =	sadd.s32 $0xF0, s7;
	[tilespmem:$0x5D0] =	vst v46;
	v6 =	vsel vm15, v6, v8  }
0xb2: {  	v47 =	vadd.s32 s12, v2;
	[tilespmem:$0x3D0] =	vst v6  }
0xb3: {  	vm5 =	vgt.s32 v47, $0x0;
	v6 =	vld.idx.msk [tilespmem:v7+s5+$0x0], $0xffff  }
0xb4: {  	v7 =	vnsel vm5, $0x0, v47  }
0xb5: {  	v49 =	vadd.s32 $0xDF, v1;
	v48 =	vor.u32 $0xE0, v1;
	v7 =	vmin.u32 v7, $0x20F  }
0xb6: {  	vm8 =	vgt.s32 v3, v49;
	vm6 =	veq.s32 v3, v48  }
0xb7: {  	v50 =	vsel vm8, $0x1, v0;
	vm7 =	vgt.s32 v4, v49;
	v8 =	vsel vm6, $0x2, v5  }
0xb8: {  	s13 =	sadd.s32 $0x100, s7;
	[tilespmem:$0x5E0] =	vst v50;
	v6 =	vsel vm7, v6, v8  }
0xb9: {  	v51 =	vadd.s32 s13, v2;
	[tilespmem:$0x3E0] =	vst v6  }
0xba: {  	vm9 =	vgt.s32 v51, $0x0;
	v6 =	vld.idx.msk [tilespmem:v7+s5+$0x0], $0xffff  }
0xbb: {  	v7 =	vnsel vm9, $0x0, v51  }
0xbc: {  	v52 =	vor.u32 $0xF0, v1;
	v53 =	vadd.s32 $0xEF, v1;
	v7 =	vmin.u32 v7, $0x20F  }
0xbd: {  	vm12 =	vgt.s32 v3, v53;
	vm10 =	veq.s32 v3, v52  }
0xbe: {  	v54 =	vsel vm12, $0x1, v0;
	vm11 =	vgt.s32 v4, v53;
	v8 =	vsel vm10, $0x2, v5  }
0xbf: {  	s14 =	sadd.s32 $0x110, s7;
	[tilespmem:$0x5F0] =	vst v54;
	v6 =	vsel vm11, v6, v8  }
0xc0: {  	v55 =	vadd.s32 s14, v2;
	[tilespmem:$0x3F0] =	vst v6  }
0xc1: {  	vm13 =	vgt.s32 v55, $0x0;
	v6 =	vld.idx.msk [tilespmem:v7+s5+$0x0], $0xffff  }
0xc2: {  	v7 =	vnsel vm13, $0x0, v55  }
0xc3: {  	v56 =	vor.u32 $0x100, v1;
	v57 =	vadd.s32 $0xFF, v1;
	v7 =	vmin.u32 v7, $0x20F  }
0xc4: {  	vm4 =	vgt.s32 v3, v57;
	vm14 =	veq.s32 v3, v56  }
0xc5: {  	v58 =	vsel vm4, $0x1, v0;
	vm15 =	vgt.s32 v4, v57;
	v8 =	vsel vm14, $0x2, v5  }
0xc6: {  	s15 =	sadd.s32 $0x120, s7;
	[tilespmem:$0x600] =	vst v58;
	v6 =	vsel vm15, v6, v8  }
0xc7: {  	v59 =	vadd.s32 s15, v2;
	[tilespmem:$0x400] =	vst v6  }
0xc8: {  	vm5 =	vgt.s32 v59, $0x0;
	v6 =	vld.idx.msk [tilespmem:v7+s5+$0x0], $0xffff  }
0xc9: {  	v7 =	vnsel vm5, $0x0, v59  }
0xca: {  	v60 =	vor.u32 $0x110, v1;
	v61 =	vadd.s32 $0x10F, v1;
	v7 =	vmin.u32 v7, $0x20F  }
0xcb: {  	vm8 =	vgt.s32 v3, v61;
	vm6 =	veq.s32 v3, v60  }
0xcc: {  	v62 =	vsel vm8, $0x1, v0;
	vm7 =	vgt.s32 v4, v61;
	v8 =	vsel vm6, $0x2, v5  }
0xcd: {  	s16 =	sadd.s32 $0x130, s7;
	[tilespmem:$0x610] =	vst v62;
	v6 =	vsel vm7, v6, v8  }
0xce: {  	v63 =	vadd.s32 s16, v2;
	[tilespmem:$0x410] =	vst v6  }
0xcf: {  	vm9 =	vgt.s32 v63, $0x0;
	v6 =	vld.idx.msk [tilespmem:v7+s5+$0x0], $0xffff  }
0xd0: {  	v7 =	vnsel vm9, $0x0, v63  }
0xd1: {  	v12 =	vor.u32 $0x120, v1;
	v13 =	vadd.s32 $0x11F, v1;
	v7 =	vmin.u32 v7, $0x20F  }
0xd2: {  	vm12 =	vgt.s32 v3, v13;
	vm10 =	veq.s32 v3, v12  }
0xd3: {  	v14 =	vsel vm12, $0x1, v0;
	vm11 =	vgt.s32 v4, v13;
	v8 =	vsel vm10, $0x2, v5  }
0xd4: {  	s17 =	sadd.s32 $0x140, s7;
	[tilespmem:$0x620] =	vst v14;
	v6 =	vsel vm11, v6, v8  }
0xd5: {  	v15 =	vadd.s32 s17, v2;
	[tilespmem:$0x420] =	vst v6  }
0xd6: {  	vm13 =	vgt.s32 v15, $0x0;
	v6 =	vld.idx.msk [tilespmem:v7+s5+$0x0], $0xffff  }
0xd7: {  	v7 =	vnsel vm13, $0x0, v15  }
0xd8: {  	v16 =	vor.u32 $0x130, v1;
	v17 =	vadd.s32 $0x12F, v1;
	v7 =	vmin.u32 v7, $0x20F  }
0xd9: {  	vm4 =	vgt.s32 v3, v17;
	vm14 =	veq.s32 v3, v16  }
0xda: {  	v18 =	vsel vm4, $0x1, v0;
	vm15 =	vgt.s32 v4, v17;
	v8 =	vsel vm14, $0x2, v5  }
0xdb: {  	s18 =	sadd.s32 $0x150, s7;
	[tilespmem:$0x630] =	vst v18;
	v6 =	vsel vm15, v6, v8  }
0xdc: {  	v19 =	vadd.s32 s18, v2;
	[tilespmem:$0x430] =	vst v6  }
0xdd: {  	vm5 =	vgt.s32 v19, $0x0;
	v6 =	vld.idx.msk [tilespmem:v7+s5+$0x0], $0xffff  }
0xde: {  	v7 =	vnsel vm5, $0x0, v19  }
0xdf: {  	v20 =	vor.u32 $0x140, v1;
	v21 =	vadd.s32 $0x13F, v1;
	v7 =	vmin.u32 v7, $0x20F  }
0xe0: {  	vm8 =	vgt.s32 v3, v21;
	vm6 =	veq.s32 v3, v20  }
0xe1: {  	v22 =	vsel vm8, $0x1, v0;
	vm7 =	vgt.s32 v4, v21;
	v8 =	vsel vm6, $0x2, v5  }
0xe2: {  	s19 =	sadd.s32 $0x160, s7;
	[tilespmem:$0x640] =	vst v22;
	v6 =	vsel vm7, v6, v8  }
0xe3: {  	v23 =	vadd.s32 s19, v2;
	[tilespmem:$0x440] =	vst v6  }
0xe4: {  	vm9 =	vgt.s32 v23, $0x0;
	v6 =	vld.idx.msk [tilespmem:v7+s5+$0x0], $0xffff  }
0xe5: {  	v7 =	vnsel vm9, $0x0, v23  }
0xe6: {  	v24 =	vor.u32 $0x150, v1;
	v25 =	vadd.s32 $0x14F, v1;
	v7 =	vmin.u32 v7, $0x20F  }
0xe7: {  	vm12 =	vgt.s32 v3, v25;
	vm10 =	veq.s32 v3, v24  }
0xe8: {  	v26 =	vsel vm12, $0x1, v0;
	vm11 =	vgt.s32 v4, v25;
	v8 =	vsel vm10, $0x2, v5  }
0xe9: {  	s20 =	sadd.s32 $0x170, s7;
	[tilespmem:$0x650] =	vst v26;
	v6 =	vsel vm11, v6, v8  }
0xea: {  	v27 =	vadd.s32 s20, v2;
	[tilespmem:$0x450] =	vst v6  }
0xeb: {  	vm13 =	vgt.s32 v27, $0x0;
	v6 =	vld.idx.msk [tilespmem:v7+s5+$0x0], $0xffff  }
0xec: {  	v7 =	vnsel vm13, $0x0, v27  }
0xed: {  	v28 =	vor.u32 $0x160, v1;
	v29 =	vadd.s32 $0x15F, v1;
	v7 =	vmin.u32 v7, $0x20F  }
0xee: {  	vm4 =	vgt.s32 v3, v29;
	vm14 =	veq.s32 v3, v28  }
0xef: {  	v30 =	vsel vm4, $0x1, v0;
	vm15 =	vgt.s32 v4, v29;
	v8 =	vsel vm14, $0x2, v5  }
0xf0: {  	s21 =	sadd.s32 $0x180, s7;
	[tilespmem:$0x660] =	vst v30;
	v6 =	vsel vm15, v6, v8  }
0xf1: {  	v31 =	vadd.s32 s21, v2;
	[tilespmem:$0x460] =	vst v6  }
0xf2: {  	vm5 =	vgt.s32 v31, $0x0;
	v6 =	vld.idx.msk [tilespmem:v7+s5+$0x0], $0xffff  }
0xf3: {  	v7 =	vnsel vm5, $0x0, v31  }
0xf4: {  	v32 =	vor.u32 $0x170, v1;
	v33 =	vadd.s32 $0x16F, v1;
	v7 =	vmin.u32 v7, $0x20F  }
0xf5: {  	vm8 =	vgt.s32 v3, v33;
	vm6 =	veq.s32 v3, v32  }
0xf6: {  	v34 =	vsel vm8, $0x1, v0;
	vm7 =	vgt.s32 v4, v33;
	v8 =	vsel vm6, $0x2, v5  }
0xf7: {  	s22 =	sadd.s32 $0x190, s7;
	[tilespmem:$0x670] =	vst v34;
	v6 =	vsel vm7, v6, v8  }
0xf8: {  	v35 =	vadd.s32 s22, v2;
	[tilespmem:$0x470] =	vst v6  }
0xf9: {  	vm9 =	vgt.s32 v35, $0x0;
	v6 =	vld.idx.msk [tilespmem:v7+s5+$0x0], $0xffff  }
0xfa: {  	v7 =	vnsel vm9, $0x0, v35  }
0xfb: {  	v36 =	vor.u32 $0x180, v1;
	v37 =	vadd.s32 $0x17F, v1;
	v7 =	vmin.u32 v7, $0x20F  }
0xfc: {  	vm12 =	vgt.s32 v3, v37;
	vm10 =	veq.s32 v3, v36  }
0xfd: {  	v38 =	vsel vm12, $0x1, v0;
	vm11 =	vgt.s32 v4, v37;
	v8 =	vsel vm10, $0x2, v5  }
0xfe: {  	s23 =	sadd.s32 $0x1A0, s7;
	[tilespmem:$0x680] =	vst v38;
	v6 =	vsel vm11, v6, v8  }
0xff: {  	v39 =	vadd.s32 s23, v2;
	[tilespmem:$0x480] =	vst v6  }
0x100: {  	vm13 =	vgt.s32 v39, $0x0;
	v6 =	vld.idx.msk [tilespmem:v7+s5+$0x0], $0xffff  }
0x101: {  	v7 =	vnsel vm13, $0x0, v39  }
0x102: {  	v40 =	vor.u32 $0x190, v1;
	v41 =	vadd.s32 $0x18F, v1;
	v7 =	vmin.u32 v7, $0x20F  }
0x103: {  	vm4 =	vgt.s32 v3, v41;
	vm14 =	veq.s32 v3, v40  }
0x104: {  	v42 =	vsel vm4, $0x1, v0;
	vm15 =	vgt.s32 v4, v41;
	v8 =	vsel vm14, $0x2, v5  }
0x105: {  	s24 =	sadd.s32 $0x1B0, s7;
	[tilespmem:$0x690] =	vst v42;
	v6 =	vsel vm15, v6, v8  }
0x106: {  	v43 =	vadd.s32 s24, v2;
	[tilespmem:$0x490] =	vst v6  }
0x107: {  	vm5 =	vgt.s32 v43, $0x0;
	v6 =	vld.idx.msk [tilespmem:v7+s5+$0x0], $0xffff  }
0x108: {  	v7 =	vnsel vm5, $0x0, v43  }
0x109: {  	v44 =	vor.u32 $0x1A0, v1;
	v45 =	vadd.s32 $0x19F, v1;
	v7 =	vmin.u32 v7, $0x20F  }
0x10a: {  	vm8 =	vgt.s32 v3, v45;
	vm6 =	veq.s32 v3, v44  }
0x10b: {  	v46 =	vsel vm8, $0x1, v0;
	vm7 =	vgt.s32 v4, v45;
	v8 =	vsel vm6, $0x2, v5  }
0x10c: {  	s25 =	sadd.s32 $0x1C0, s7;
	[tilespmem:$0x6A0] =	vst v46;
	v6 =	vsel vm7, v6, v8  }
0x10d: {  	v47 =	vadd.s32 s25, v2;
	[tilespmem:$0x4A0] =	vst v6  }
0x10e: {  	vm9 =	vgt.s32 v47, $0x0;
	v6 =	vld.idx.msk [tilespmem:v7+s5+$0x0], $0xffff  }
0x10f: {  	v7 =	vnsel vm9, $0x0, v47  }
0x110: {  	v48 =	vor.u32 $0x1B0, v1;
	v49 =	vadd.s32 $0x1AF, v1;
	v7 =	vmin.u32 v7, $0x20F  }
0x111: {  	vm12 =	vgt.s32 v3, v49;
	vm10 =	veq.s32 v3, v48  }
0x112: {  	v50 =	vsel vm12, $0x1, v0;
	vm11 =	vgt.s32 v4, v49;
	v8 =	vsel vm10, $0x2, v5  }
0x113: {  	s26 =	sadd.s32 $0x1D0, s7;
	[tilespmem:$0x6B0] =	vst v50;
	v6 =	vsel vm11, v6, v8  }
0x114: {  	v51 =	vadd.s32 s26, v2;
	[tilespmem:$0x4B0] =	vst v6  }
0x115: {  	vm13 =	vgt.s32 v51, $0x0;
	v6 =	vld.idx.msk [tilespmem:v7+s5+$0x0], $0xffff  }
0x116: {  	v7 =	vnsel vm13, $0x0, v51  }
0x117: {  	v52 =	vor.u32 $0x1C0, v1;
	v53 =	vadd.s32 $0x1BF, v1;
	v7 =	vmin.u32 v7, $0x20F  }
0x118: {  	vm4 =	vgt.s32 v3, v53;
	vm14 =	veq.s32 v3, v52  }
0x119: {  	v54 =	vsel vm4, $0x1, v0;
	vm15 =	vgt.s32 v4, v53;
	v8 =	vsel vm14, $0x2, v5  }
0x11a: {  	s28 =	sadd.s32 $0x1E0, s7;
	[tilespmem:$0x6C0] =	vst v54;
	v6 =	vsel vm15, v6, v8  }
0x11b: {  	v55 =	vadd.s32 s28, v2;
	[tilespmem:$0x4C0] =	vst v6  }
0x11c: {  	vm5 =	vgt.s32 v55, $0x0;
	v6 =	vld.idx.msk [tilespmem:v7+s5+$0x0], $0xffff  }
0x11d: {  	v7 =	vnsel vm5, $0x0, v55  }
0x11e: {  	v56 =	vor.u32 $0x1D0, v1;
	v57 =	vadd.s32 $0x1CF, v1;
	v7 =	vmin.u32 v7, $0x20F  }
0x11f: {  	vm8 =	vgt.s32 v3, v57;
	vm6 =	veq.s32 v3, v56  }
0x120: {  	v58 =	vsel vm8, $0x1, v0;
	vm7 =	vgt.s32 v4, v57;
	v8 =	vsel vm6, $0x2, v5  }
0x121: {  	s7 =	sadd.s32 $0x1F0, s7;
	[tilespmem:$0x6D0] =	vst v58;
	v6 =	vsel vm7, v6, v8  }
0x122: {  	v2 =	vadd.s32 s7, v2;
	[tilespmem:$0x4D0] =	vst v6  }
0x123: {  	vm9 =	vgt.s32 v2, $0x0;
	v6 =	vld.idx.msk [tilespmem:v7+s5+$0x0], $0xffff  }
0x124: {  	v2 =	vnsel vm9, $0x0, v2  }
0x125: {  	v60 =	vadd.s32 $0x1DF, v1;
	v59 =	vor.u32 $0x1E0, v1;
	v2 =	vmin.u32 v2, $0x20F  }
0x126: {  	vm12 =	vgt.s32 v3, v60;
	vm10 =	veq.s32 v3, v59  }
0x127: {  	v61 =	vsel vm12, $0x1, v0;
	vm11 =	vgt.s32 v4, v60;
	v7 =	vsel vm10, $0x2, v5  }
0x128: {  	[tilespmem:$0x6E0] =	vst v61;
	v6 =	vsel vm11, v6, v7  }
0x129: {  	[tilespmem:$0x4E0] =	vst v6  }
0x12a: {  	v2 =	vld.idx.msk [tilespmem:v2+s5+$0x0], $0xffff;
	_ =	sdelay $0x1  }
0x12b: {  	v62 =	vor.u32 $0x1F0, v1;
	v1 =	vadd.s32 $0x1EF, v1  }
0x12c: {  	vm13 =	veq.s32 v3, v62;
	vm15 =	vgt.s32 v3, v1  }
0x12d: {  	vm14 =	vgt.s32 v4, v1;
	v63 =	vsel vm13, $0x2, v5;
	v0 =	vsel vm15, $0x1, v0  }
0x12e: {  	[tilespmem:$0x6F0] =	vst v0;
	v2 =	vsel vm14, v2, v63  }
0x12f: {  	s2 =	sadd.s32 s2, s4;
	s29 =	simm.s32 $0x300;
	[tilespmem:$0x4F0] =	vst v2  }
0x130: {  	[hbm4b:s2+s5] =	stream.strided.scatter [tilespmem:s29], [sflag:$0x2], $0x200, s6, s5, $0x38;
	[tilespmem:$0x900] =	vst v63  }
0x131: {  	s1 =	sadd.s32 s1, s4;
	s30 =	simm.s32 $0x500;
	s31 =	simm.s32 $0x2  }
0x132: {  	[hbm4b:s1+s5] =	stream.strided.scatter [tilespmem:s30], [sflag:$0x2], $0x200, s6, s5, $0x38;
	[tilespmem:$0x900] =	vst v63  }
0x133: {  	_ =	swait.ge [sflag:s31], $0x200  }
0x134: {  	[sflag:s31] =	ssyncset.done $0x0  }
0x135: {  	[sflag:s31] =	ssyncadd.s32 $0xFFFFFE00  }
0x136: {  	_ =	swait.ge [sflag:s31], $0x200  }
0x137: {  	[sflag:s31] =	ssyncset.done $0x0  }
0x138: {  	[sflag:s31] =	ssyncadd.s32 $0xFFFFFE00  }
0x139: {  	_ =	swait.ge [sflag:s31], $0x200  }
0x13a: {  	[sflag:s31] =	ssyncset.done $0x0  }
0x13b: {  	[sflag:s31] =	ssyncadd.s32 $0xFFFFFE00  }
0x13c: {  	_ =	sfence.sel $0x180000  }
0x13d: {  	[bflag:$0x0] =	sbarrier.arrive $0xFFFF  }
0x13e: {  	p0 =	sne.s32 s3, $0x0;
	_ =	strace $0x90000047  }
0x13f: {  	s0 =	sadd.s32 @!p0 $0x100000, s0;
	[bflag:$0x2] =	sbarrier.arrive $0xFFFF  }
0x140: {  	[sflag:s0] =	ssyncadd.tile.s32 @!p0 $0x1;
	_ =	shalt  }
.Lfunc_end2:
_tile_overlayer_lowered:
.L_overlay_start_2:
0x141: {  	(tag) =	ssettag $0x2  }
0x142: {  	s0 =	rddreg [dreg:$0x0];
	s2 =	stileid.u32  }
0x143: {  	s1 =	rddreg [dreg:$0x1];
	p0 =	sne.s32 s2, $0x0  }
0x144: {  	s3 =	rddreg [dreg:$0x2];
	[bflag:$0x3] =	sbarrier.arrive $0xFFFF;
	s2 =	simm.s32 @!p0 $0x1C03  }
0x145: {  	[timem:s3], [sflag:s2] =	dma.local @!p0 [hbm:s0], s1  }
0x146: {  	s0 =	simm.s32 @!p0 $0x3  }
0x147: {  	_ =	swait.ge @!p0 [sflag:s0], s1  }
0x148: {  	s1 =	ssub.s32 @!p0 $0x0, s1;
	[sflag:s0] =	ssyncset.done @!p0 $0x0  }
0x149: {  	[sflag:s0] =	ssyncadd.s32 @!p0 s1  }
0x14a: {  	[bflag:$0x3] =	sbarrier.arrive $0xFFFF  }
0x14b: {  	_ =	shalt  }

</sc_bundles>
